<compile_context>
chip_gen: v7x
topology: tpu7x:2x2x1
jax: 0.10.2.dev20260603
libtpu: 0.0.44.dev20260713+nightly
codegen_flags: <defaults>
</compile_context>

<pallas_src>
import functools

import jax
import jax.numpy as jnp
from jax import lax
from jax.experimental import pallas as pl
from jax.experimental.pallas import tpu as pltpu
from jax.experimental.pallas import tpu_sc as plsc

_N = 200
_E = 12800
_NP = 256
_LANES = 16
_SUBC = 16
_ROWS = _NP // _SUBC


def _sc_build_adj(ei1, ea1, ei2, ea2):
    mesh = plsc.VectorSubcoreMesh(core_axis_name="c", subcore_axis_name="s")

    @functools.partial(
        pl.kernel,
        out_type=jax.ShapeDtypeStruct((2, _NP, _NP), jnp.float32),
        mesh=mesh,
        scratch_types=[
            pltpu.VMEM((_E,), jnp.int32),
            pltpu.VMEM((_E,), jnp.int32),
            pltpu.VMEM((_E,), jnp.float32),
            pltpu.VMEM((_ROWS, _NP), jnp.float32),
        ],
        compiler_params=pltpu.CompilerParams(needs_layout_passes=False),
    )
    def build(ei1_h, ea1_h, ei2_h, ea2_h, out_h, src_v, dst_v, ew_v, acc_v):
        c = lax.axis_index("c")
        s = lax.axis_index("s")
        base = s * _ROWS
        zeros = jnp.zeros((_LANES,), jnp.float32)

        def body(ei_h, ea_h, g):
            pltpu.sync_copy(ei_h.at[0], src_v)
            pltpu.sync_copy(ei_h.at[1], dst_v)
            pltpu.sync_copy(ea_h, ew_v)

            def zstep(r, carry):
                for k in range(_NP // _LANES):
                    acc_v[r, pl.ds(k * _LANES, _LANES)] = zeros
                return carry
            lax.fori_loop(0, _ROWS, zstep, 0)

            def estep(i, carry):
                for k in range(4):
                    e0 = i * (4 * _LANES) + k * _LANES
                    s16 = src_v[pl.ds(e0, _LANES)]
                    d16 = dst_v[pl.ds(e0, _LANES)]
                    w16 = ew_v[pl.ds(e0, _LANES)]
                    w16 = jnp.where(s16 == d16, 0.0, w16)
                    rel = d16 - base
                    inr = (rel >= 0) & (rel < _ROWS)
                    relc = jnp.where(inr, rel, 0)
                    plsc.addupdate_scatter(acc_v, [relc, s16], w16, mask=inr)
                return carry
            lax.fori_loop(0, _E // (4 * _LANES), estep, 0)

            pltpu.sync_copy(acc_v, out_h.at[g, pl.ds(base, _ROWS)])

        @pl.when(c == 0)
        def _():
            body(ei1_h, ea1_h, 0)

        @pl.when(c == 1)
        def _():
            body(ei2_h, ea2_h, 1)

    return build(ei1, ea1, ei2, ea2)


def _tc_forward(adj, x1, x2, gc1_W, gc1_b, gc4_W, gc4_b, cls_W1, cls_b1,
                cls_W2, cls_b2):
    pad_n = _NP - _N

    def body(a_r, x1_r, x2_r, w1_r, b1_r, w4_r, b4_r, cw1_r, cb1_r, cw2_r,
             cb2_r, out_r):
        def make_l(A):
            deg = jnp.sum(A, axis=0)
            safe = jnp.where(deg > 0, deg, 1.0)
            dis = jnp.where(deg > 0, 1.0 / jnp.sqrt(safe), 0.0)
            return -(dis[:, None] * A * dis[None, :])

        def prop(L, x):
            return jnp.dot(L, x, preferred_element_type=jnp.float32,
                           precision=lax.Precision.HIGHEST)

        def cheb(x, L, w_r, b):
            out = jnp.dot(x, w_r[0], preferred_element_type=jnp.float32)
            t1 = prop(L, x)
            out = out + jnp.dot(t1, w_r[1], preferred_element_type=jnp.float32)
            t2 = 2.0 * prop(L, t1) - x
            out = out + jnp.dot(t2, w_r[2], preferred_element_type=jnp.float32)
            return out + b

        def tower(x, L, b1, b4):
            h = jnp.maximum(cheb(x, L, w1_r, b1), 0.0)
            return jnp.maximum(cheb(h, L, w4_r, b4), 0.0)

        xpad = jnp.zeros((pad_n, x1_r.shape[1]), jnp.float32)
        x1p = jnp.concatenate([x1_r[...], xpad], axis=0)
        x2p = jnp.concatenate([x2_r[...], xpad], axis=0)
        b1 = b1_r[...]
        b4 = b4_r[...]
        h1 = tower(x1p, make_l(a_r[0]), b1, b4)
        h2 = tower(x2p, make_l(a_r[1]), b1, b4)
        prod = h1 * h2

        cw1 = jnp.pad(cw1_r[...], ((0, pad_n), (0, 28)))
        cb1 = jnp.pad(cb1_r[...], (0, 28))
        cw2 = jnp.pad(cw2_r[...], ((0, 28), (0, 0)))
        hid = lax.dot_general(prod, cw1, (((0,), (0,)), ((), ())),
                              preferred_element_type=jnp.float32)
        hid = jnp.maximum(hid + cb1, 0.0)
        out_r[...] = jnp.dot(hid, cw2,
                             preferred_element_type=jnp.float32) + cb2_r[...]

    return pl.pallas_call(
        body,
        out_shape=jax.ShapeDtypeStruct((_NP, 1), jnp.float32),
    )(adj, x1, x2, gc1_W, gc1_b, gc4_W, gc4_b, cls_W1, cls_b1, cls_W2, cls_b2)


def kernel(x1, edge_index1, edge_attr1, x2, edge_index2, edge_attr2, gc1_W,
           gc1_b, gc4_W, gc4_b, cls_W1, cls_b1, cls_W2, cls_b2):
    adj = _sc_build_adj(edge_index1, edge_attr1, edge_index2, edge_attr2)
    return _tc_forward(adj, x1, x2, gc1_W, gc1_b, gc4_W, gc4_b, cls_W1,
                       cls_b1, cls_W2, cls_b2)

# --- scband reference (transcript-rebuilt; emitter-appended) ---
"""Pipeline reference for scband-siamese-hinge-cheby-70849780514835 (READ-ONLY COPY).

The authoritative reference and input builder live on the scoring server;
editing this copy changes nothing except your own understanding.
"""

import jax, jax.numpy as jnp
import numpy as np

N = 200
E = 12800
NFEAT = 512
NHID = 512
NCLASS = 256

def _glorot(key, shape):
    fan_in, fan_out = shape[-2], shape[-1]
    lim = float(np.sqrt(6.0 / (fan_in + fan_out)))
    return jax.random.uniform(key, shape, dtype=jnp.float32, minval=-lim, maxval=lim)

def setup_inputs(seed: int = 0):
    key = jax.random.key(seed)
    ks = jax.random.split(key, 16)
    inp = {}
    inp["x1"] = jax.random.normal(ks[0], (N, NFEAT), dtype=jnp.float32)
    inp["edge_index1"] = jax.random.randint(ks[1], (2, E), 0, N)
    inp["edge_attr1"] = jax.random.uniform(ks[2], (E,), dtype=jnp.float32)
    inp["x2"] = jax.random.normal(ks[3], (N, NFEAT), dtype=jnp.float32)
    inp["edge_index2"] = jax.random.randint(ks[4], (2, E), 0, N)
    inp["edge_attr2"] = jax.random.uniform(ks[5], (E,), dtype=jnp.float32)
    inp["gc1_W"] = _glorot(ks[6], (3, NFEAT, NHID))
    inp["gc1_b"] = jnp.zeros((NHID,), dtype=jnp.float32)
    inp["gc4_W"] = _glorot(ks[7], (3, NHID, NCLASS))
    inp["gc4_b"] = jnp.zeros((NCLASS,), dtype=jnp.float32)
    inp["cls_W1"] = _glorot(ks[8], (N, 100))
    inp["cls_b1"] = jnp.zeros((100,), dtype=jnp.float32)
    inp["cls_W2"] = _glorot(ks[9], (100, 1))
    inp["cls_b2"] = jnp.zeros((1,), dtype=jnp.float32)
    return inp

def _cheb_norm(edge_index, edge_weight, num_nodes):
    # PyG ChebConv norm with normalization='sym', lambda_max=2.0:
    # scaled Laplacian off-diagonals = -D^{-1/2} A D^{-1/2}; self-loop weights become 0.
    src, dst = edge_index[0], edge_index[1]
    ew = jnp.where(src == dst, 0.0, edge_weight)  # remove_self_loops
    deg = jax.ops.segment_sum(ew, src, num_segments=num_nodes)
    safe = jnp.where(deg > 0, deg, 1.0)
    dis = jnp.where(deg > 0, 1.0 / jnp.sqrt(safe), 0.0)
    return -dis[src] * ew * dis[dst]

def _cheb_conv(x, src, dst, norm, W, b):
    # K=3 Chebyshev recurrence: T0=x, T1=L_hat x, T2=2 L_hat T1 - T0
    n = x.shape[0]
    def prop(h):
        return jax.ops.segment_sum(norm[:, None] * h[src], dst, num_segments=n)
    Tx0 = x
    out = Tx0 @ W[0]
    Tx1 = prop(Tx0)
    out = out + Tx1 @ W[1]
    Tx2 = 2.0 * prop(Tx1) - Tx0
    out = out + Tx2 @ W[2]
    return out + b

def reference(x1, edge_index1, edge_attr1, x2, edge_index2, edge_attr2, gc1_W, gc1_b, gc4_W, gc4_b, cls_W1, cls_b1, cls_W2, cls_b2):
    def single(x, ei, ew):
        norm = _cheb_norm(ei, ew, x.shape[0])
        src, dst = ei[0], ei[1]
        h = jax.nn.relu(_cheb_conv(x, src, dst, norm, gc1_W, gc1_b))
        # dropout is identity in eval mode
        h = jax.nn.relu(_cheb_conv(h, src, dst, norm, gc4_W, gc4_b))
        return h
    out1 = single(x1, edge_index1, edge_attr1)
    out2 = single(x2, edge_index2, edge_attr2)
    prod = out1 * out2  # [N, NCLASS]
    h = prod.T @ cls_W1 + cls_b1  # [NCLASS, 100]
    h = jax.nn.relu(h)
    return h @ cls_W2 + cls_b2  # [NCLASS, 1]

if __name__ == "__main__":
    import jax
    _d = setup_inputs()
    print(jax.jit(kernel)(*tuple(_d.values())))

</pallas_src>

<mosaic_0001>
#map = affine_map<(d0, d1) -> (0, 0)>
#map1 = affine_map<(d0, d1) -> (0)>
#map2 = affine_map<(d0, d1) -> (0, 0, 0)>
module attributes {stable_mosaic.version = 14 : i64} {
  func.func @build(%arg0: i32, %arg1: i32, %arg2: memref<2x12800xi32, #tpu.memory_space<hbm>>, %arg3: memref<12800xf32, #tpu.memory_space<hbm>>, %arg4: memref<2x12800xi32, #tpu.memory_space<hbm>>, %arg5: memref<12800xf32, #tpu.memory_space<hbm>>, %arg6: memref<2x256x256xf32, #tpu.memory_space<hbm>>, %arg7: memref<12800xi32, #tpu.memory_space<vmem>>, %arg8: memref<12800xi32, #tpu.memory_space<vmem>>, %arg9: memref<12800xf32, #tpu.memory_space<vmem>>, %arg10: memref<16x256xf32, #tpu.memory_space<vmem>>) attributes {dimension_semantics = [#tpu.dimension_semantics<core_parallel>, #tpu.dimension_semantics<subcore_parallel>], iteration_bounds = array<i64: 2, 16>, scalar_prefetch = 0 : i64, scratch_operands = 4 : i64, tpu.core_type = #tpu.core_type<sc_vector_subcore>, window_params = [{transform_indices = #map}, {transform_indices = #map1}, {transform_indices = #map}, {transform_indices = #map1}, {transform_indices = #map2}]} {
    %mul3A = arith.constant 16 : i32
    %mul3A_0 = arith.muli %arg1, %mul3A : i32
    %broadcast_in_dim3A = arith.constant 0.000000e+00 : f32
    %broadcast_in_dim3A_1 = vector.broadcast %broadcast_in_dim3A : f32 to vector<16xf32>
    %eq3A = arith.constant 0 : i32
    %eq3A_2 = arith.cmpi eq, %arg0, %eq3A : i32
    %convert_element_type3A = arith.extui %eq3A_2 : i1 to i32
    %cond3A = arith.constant 0 : i32
    %cond3A_3 = arith.cmpi ne, %convert_element_type3A, %cond3A : i32
    scf.if %cond3A_3 {
      %run_scoped3A = arith.constant 0 : i32
      "tpu.region"() ({
        %run_scoped3A_22 = tpu.sem_alloc : memref<!tpu.dma_semaphore, #tpu.memory_space<semaphore_mem>>
        %dma_start3A = arith.constant 0 : i32
        %dma_start3A_23 = tpu.memref_slice %arg2[%run_scoped3A, %dma_start3A] : memref<2x12800xi32, #tpu.memory_space<hbm>> -> memref<1x12800xi32, #tpu.memory_space<hbm>>
        %dma_start3A_24 = tpu.memref_squeeze %dma_start3A_23 : memref<1x12800xi32, #tpu.memory_space<hbm>> -> memref<12800xi32, #tpu.memory_space<hbm>>
        %dma_start3A_25 = arith.constant 0 : i32
        %dma_start3A_26 = tpu.memref_slice %arg2[%run_scoped3A, %dma_start3A_25] : memref<2x12800xi32, #tpu.memory_space<hbm>> -> memref<1x12800xi32, #tpu.memory_space<hbm>>
        %dma_start3A_27 = tpu.memref_squeeze %dma_start3A_26 : memref<1x12800xi32, #tpu.memory_space<hbm>> -> memref<12800xi32, #tpu.memory_space<hbm>>
        tpu.enqueue_dma source(%dma_start3A_27 : memref<12800xi32, #tpu.memory_space<hbm>>) target(%arg7 : memref<12800xi32, #tpu.memory_space<vmem>>) target_semaphore(%run_scoped3A_22 : memref<!tpu.dma_semaphore, #tpu.memory_space<semaphore_mem>>)
        %dma_wait3A = arith.constant 0 : i32
        %dma_wait3A_28 = tpu.memref_slice %arg2[%run_scoped3A, %dma_wait3A] : memref<2x12800xi32, #tpu.memory_space<hbm>> -> memref<1x12800xi32, #tpu.memory_space<hbm>>
        %dma_wait3A_29 = tpu.memref_squeeze %dma_wait3A_28 : memref<1x12800xi32, #tpu.memory_space<hbm>> -> memref<12800xi32, #tpu.memory_space<hbm>>
        %dma_wait3A_30 = arith.constant 0 : i32
        %dma_wait3A_31 = tpu.memref_slice %arg2[%run_scoped3A, %dma_wait3A_30] : memref<2x12800xi32, #tpu.memory_space<hbm>> -> memref<1x12800xi32, #tpu.memory_space<hbm>>
        %dma_wait3A_32 = tpu.memref_squeeze %dma_wait3A_31 : memref<1x12800xi32, #tpu.memory_space<hbm>> -> memref<12800xi32, #tpu.memory_space<hbm>>
        tpu.wait_dma2 semaphore(%run_scoped3A_22 : memref<!tpu.dma_semaphore, #tpu.memory_space<semaphore_mem>>) src(%dma_wait3A_32 : memref<12800xi32, #tpu.memory_space<hbm>>) dst(%arg7 : memref<12800xi32, #tpu.memory_space<vmem>>)
        tpu.yield
      }) : () -> ()
      %run_scoped3A_9 = arith.constant 1 : i32
      "tpu.region"() ({
        %run_scoped3A_22 = tpu.sem_alloc : memref<!tpu.dma_semaphore, #tpu.memory_space<semaphore_mem>>
        %dma_start3A = arith.constant 0 : i32
        %dma_start3A_23 = tpu.memref_slice %arg2[%run_scoped3A_9, %dma_start3A] : memref<2x12800xi32, #tpu.memory_space<hbm>> -> memref<1x12800xi32, #tpu.memory_space<hbm>>
        %dma_start3A_24 = tpu.memref_squeeze %dma_start3A_23 : memref<1x12800xi32, #tpu.memory_space<hbm>> -> memref<12800xi32, #tpu.memory_space<hbm>>
        %dma_start3A_25 = arith.constant 0 : i32
        %dma_start3A_26 = tpu.memref_slice %arg2[%run_scoped3A_9, %dma_start3A_25] : memref<2x12800xi32, #tpu.memory_space<hbm>> -> memref<1x12800xi32, #tpu.memory_space<hbm>>
        %dma_start3A_27 = tpu.memref_squeeze %dma_start3A_26 : memref<1x12800xi32, #tpu.memory_space<hbm>> -> memref<12800xi32, #tpu.memory_space<hbm>>
        tpu.enqueue_dma source(%dma_start3A_27 : memref<12800xi32, #tpu.memory_space<hbm>>) target(%arg8 : memref<12800xi32, #tpu.memory_space<vmem>>) target_semaphore(%run_scoped3A_22 : memref<!tpu.dma_semaphore, #tpu.memory_space<semaphore_mem>>)
        %dma_wait3A = arith.constant 0 : i32
        %dma_wait3A_28 = tpu.memref_slice %arg2[%run_scoped3A_9, %dma_wait3A] : memref<2x12800xi32, #tpu.memory_space<hbm>> -> memref<1x12800xi32, #tpu.memory_space<hbm>>
        %dma_wait3A_29 = tpu.memref_squeeze %dma_wait3A_28 : memref<1x12800xi32, #tpu.memory_space<hbm>> -> memref<12800xi32, #tpu.memory_space<hbm>>
        %dma_wait3A_30 = arith.constant 0 : i32
        %dma_wait3A_31 = tpu.memref_slice %arg2[%run_scoped3A_9, %dma_wait3A_30] : memref<2x12800xi32, #tpu.memory_space<hbm>> -> memref<1x12800xi32, #tpu.memory_space<hbm>>
        %dma_wait3A_32 = tpu.memref_squeeze %dma_wait3A_31 : memref<1x12800xi32, #tpu.memory_space<hbm>> -> memref<12800xi32, #tpu.memory_space<hbm>>
        tpu.wait_dma2 semaphore(%run_scoped3A_22 : memref<!tpu.dma_semaphore, #tpu.memory_space<semaphore_mem>>) src(%dma_wait3A_32 : memref<12800xi32, #tpu.memory_space<hbm>>) dst(%arg8 : memref<12800xi32, #tpu.memory_space<vmem>>)
        tpu.yield
      }) : () -> ()
      "tpu.region"() ({
        %run_scoped3A_22 = tpu.sem_alloc : memref<!tpu.dma_semaphore, #tpu.memory_space<semaphore_mem>>
        tpu.enqueue_dma source(%arg3 : memref<12800xf32, #tpu.memory_space<hbm>>) target(%arg9 : memref<12800xf32, #tpu.memory_space<vmem>>) target_semaphore(%run_scoped3A_22 : memref<!tpu.dma_semaphore, #tpu.memory_space<semaphore_mem>>)
        tpu.wait_dma2 semaphore(%run_scoped3A_22 : memref<!tpu.dma_semaphore, #tpu.memory_space<semaphore_mem>>) src(%arg3 : memref<12800xf32, #tpu.memory_space<hbm>>) dst(%arg9 : memref<12800xf32, #tpu.memory_space<vmem>>)
        tpu.yield
      }) : () -> ()
      %scan3A = arith.constant 0 : i32
      %scan3A_10 = arith.constant 0 : i32
      %scan3A_11 = arith.constant 16 : i32
      %scan3A_12 = arith.addi %scan3A_10, %scan3A_11 : i32
      %scan3A_13 = arith.constant 1 : i32
      scf.for %scan3A_22 = %scan3A_10 to %scan3A_12 step %scan3A_13  : i32 {
        %swap3A = arith.index_cast %scan3A_22 : i32 to index
        %swap3A_23 = arith.constant 0 : index
        %swap3A_24 = tpu.vector_load %arg10[%swap3A, %swap3A_23] {strides = array<i32>} : memref<16x256xf32, #tpu.memory_space<vmem>>, vector<16xf32>,
        tpu.vector_store %arg10[%swap3A, %swap3A_23], %broadcast_in_dim3A_1 {strides = array<i32>} : memref<16x256xf32, #tpu.memory_space<vmem>>, vector<16xf32>,
        %swap3A_25 = arith.index_cast %scan3A_22 : i32 to index
        %swap3A_26 = arith.constant 16 : index
        %swap3A_27 = tpu.vector_load %arg10[%swap3A_25, %swap3A_26] {strides = array<i32>} : memref<16x256xf32, #tpu.memory_space<vmem>>, vector<16xf32>,
        tpu.vector_store %arg10[%swap3A_25, %swap3A_26], %broadcast_in_dim3A_1 {strides = array<i32>} : memref<16x256xf32, #tpu.memory_space<vmem>>, vector<16xf32>,
        %swap3A_28 = arith.index_cast %scan3A_22 : i32 to index
        %swap3A_29 = arith.constant 32 : index
        %swap3A_30 = tpu.vector_load %arg10[%swap3A_28, %swap3A_29] {strides = array<i32>} : memref<16x256xf32, #tpu.memory_space<vmem>>, vector<16xf32>,
        tpu.vector_store %arg10[%swap3A_28, %swap3A_29], %broadcast_in_dim3A_1 {strides = array<i32>} : memref<16x256xf32, #tpu.memory_space<vmem>>, vector<16xf32>,
        %swap3A_31 = arith.index_cast %scan3A_22 : i32 to index
        %swap3A_32 = arith.constant 48 : index
        %swap3A_33 = tpu.vector_load %arg10[%swap3A_31, %swap3A_32] {strides = array<i32>} : memref<16x256xf32, #tpu.memory_space<vmem>>, vector<16xf32>,
        tpu.vector_store %arg10[%swap3A_31, %swap3A_32], %broadcast_in_dim3A_1 {strides = array<i32>} : memref<16x256xf32, #tpu.memory_space<vmem>>, vector<16xf32>,
        %swap3A_34 = arith.index_cast %scan3A_22 : i32 to index
        %swap3A_35 = arith.constant 64 : index
        %swap3A_36 = tpu.vector_load %arg10[%swap3A_34, %swap3A_35] {strides = array<i32>} : memref<16x256xf32, #tpu.memory_space<vmem>>, vector<16xf32>,
        tpu.vector_store %arg10[%swap3A_34, %swap3A_35], %broadcast_in_dim3A_1 {strides = array<i32>} : memref<16x256xf32, #tpu.memory_space<vmem>>, vector<16xf32>,
        %swap3A_37 = arith.index_cast %scan3A_22 : i32 to index
        %swap3A_38 = arith.constant 80 : index
        %swap3A_39 = tpu.vector_load %arg10[%swap3A_37, %swap3A_38] {strides = array<i32>} : memref<16x256xf32, #tpu.memory_space<vmem>>, vector<16xf32>,
        tpu.vector_store %arg10[%swap3A_37, %swap3A_38], %broadcast_in_dim3A_1 {strides = array<i32>} : memref<16x256xf32, #tpu.memory_space<vmem>>, vector<16xf32>,
        %swap3A_40 = arith.index_cast %scan3A_22 : i32 to index
        %swap3A_41 = arith.constant 96 : index
        %swap3A_42 = tpu.vector_load %arg10[%swap3A_40, %swap3A_41] {strides = array<i32>} : memref<16x256xf32, #tpu.memory_space<vmem>>, vector<16xf32>,
        tpu.vector_store %arg10[%swap3A_40, %swap3A_41], %broadcast_in_dim3A_1 {strides = array<i32>} : memref<16x256xf32, #tpu.memory_space<vmem>>, vector<16xf32>,
        %swap3A_43 = arith.index_cast %scan3A_22 : i32 to index
        %swap3A_44 = arith.constant 112 : index
        %swap3A_45 = tpu.vector_load %arg10[%swap3A_43, %swap3A_44] {strides = array<i32>} : memref<16x256xf32, #tpu.memory_space<vmem>>, vector<16xf32>,
        tpu.vector_store %arg10[%swap3A_43, %swap3A_44], %broadcast_in_dim3A_1 {strides = array<i32>} : memref<16x256xf32, #tpu.memory_space<vmem>>, vector<16xf32>,
        %swap3A_46 = arith.index_cast %scan3A_22 : i32 to index
        %swap3A_47 = arith.constant 128 : index
        %swap3A_48 = tpu.vector_load %arg10[%swap3A_46, %swap3A_47] {strides = array<i32>} : memref<16x256xf32, #tpu.memory_space<vmem>>, vector<16xf32>,
        tpu.vector_store %arg10[%swap3A_46, %swap3A_47], %broadcast_in_dim3A_1 {strides = array<i32>} : memref<16x256xf32, #tpu.memory_space<vmem>>, vector<16xf32>,
        %swap3A_49 = arith.index_cast %scan3A_22 : i32 to index
        %swap3A_50 = arith.constant 144 : index
        %swap3A_51 = tpu.vector_load %arg10[%swap3A_49, %swap3A_50] {strides = array<i32>} : memref<16x256xf32, #tpu.memory_space<vmem>>, vector<16xf32>,
        tpu.vector_store %arg10[%swap3A_49, %swap3A_50], %broadcast_in_dim3A_1 {strides = array<i32>} : memref<16x256xf32, #tpu.memory_space<vmem>>, vector<16xf32>,
        %swap3A_52 = arith.index_cast %scan3A_22 : i32 to index
        %swap3A_53 = arith.constant 160 : index
        %swap3A_54 = tpu.vector_load %arg10[%swap3A_52, %swap3A_53] {strides = array<i32>} : memref<16x256xf32, #tpu.memory_space<vmem>>, vector<16xf32>,
        tpu.vector_store %arg10[%swap3A_52, %swap3A_53], %broadcast_in_dim3A_1 {strides = array<i32>} : memref<16x256xf32, #tpu.memory_space<vmem>>, vector<16xf32>,
        %swap3A_55 = arith.index_cast %scan3A_22 : i32 to index
        %swap3A_56 = arith.constant 176 : index
        %swap3A_57 = tpu.vector_load %arg10[%swap3A_55, %swap3A_56] {strides = array<i32>} : memref<16x256xf32, #tpu.memory_space<vmem>>, vector<16xf32>,
        tpu.vector_store %arg10[%swap3A_55, %swap3A_56], %broadcast_in_dim3A_1 {strides = array<i32>} : memref<16x256xf32, #tpu.memory_space<vmem>>, vector<16xf32>,
        %swap3A_58 = arith.index_cast %scan3A_22 : i32 to index
        %swap3A_59 = arith.constant 192 : index
        %swap3A_60 = tpu.vector_load %arg10[%swap3A_58, %swap3A_59] {strides = array<i32>} : memref<16x256xf32, #tpu.memory_space<vmem>>, vector<16xf32>,
        tpu.vector_store %arg10[%swap3A_58, %swap3A_59], %broadcast_in_dim3A_1 {strides = array<i32>} : memref<16x256xf32, #tpu.memory_space<vmem>>, vector<16xf32>,
        %swap3A_61 = arith.index_cast %scan3A_22 : i32 to index
        %swap3A_62 = arith.constant 208 : index
        %swap3A_63 = tpu.vector_load %arg10[%swap3A_61, %swap3A_62] {strides = array<i32>} : memref<16x256xf32, #tpu.memory_space<vmem>>, vector<16xf32>,
        tpu.vector_store %arg10[%swap3A_61, %swap3A_62], %broadcast_in_dim3A_1 {strides = array<i32>} : memref<16x256xf32, #tpu.memory_space<vmem>>, vector<16xf32>,
        %swap3A_64 = arith.index_cast %scan3A_22 : i32 to index
        %swap3A_65 = arith.constant 224 : index
        %swap3A_66 = tpu.vector_load %arg10[%swap3A_64, %swap3A_65] {strides = array<i32>} : memref<16x256xf32, #tpu.memory_space<vmem>>, vector<16xf32>,
        tpu.vector_store %arg10[%swap3A_64, %swap3A_65], %broadcast_in_dim3A_1 {strides = array<i32>} : memref<16x256xf32, #tpu.memory_space<vmem>>, vector<16xf32>,
        %swap3A_67 = arith.index_cast %scan3A_22 : i32 to index
        %swap3A_68 = arith.constant 240 : index
        %swap3A_69 = tpu.vector_load %arg10[%swap3A_67, %swap3A_68] {strides = array<i32>} : memref<16x256xf32, #tpu.memory_space<vmem>>, vector<16xf32>,
        tpu.vector_store %arg10[%swap3A_67, %swap3A_68], %broadcast_in_dim3A_1 {strides = array<i32>} : memref<16x256xf32, #tpu.memory_space<vmem>>, vector<16xf32>,
      }
      %scan3A_14 = arith.constant 16 : i32
      %scan3A_15 = arith.constant 0 : i32
      %scan3A_16 = arith.constant 0 : i32
      %scan3A_17 = arith.constant 200 : i32
      %scan3A_18 = arith.addi %scan3A_16, %scan3A_17 : i32
      %scan3A_19 = arith.constant 1 : i32
      scf.for %scan3A_22 = %scan3A_16 to %scan3A_18 step %scan3A_19  : i32 {
        %mul3A_23 = arith.constant 64 : i32
        %mul3A_24 = arith.muli %scan3A_22, %mul3A_23 : i32
        %add3A = arith.constant 0 : i32
        %add3A_25 = arith.addi %mul3A_24, %add3A : i32
        %get3A = arith.index_cast %add3A_25 : i32 to index
        %get3A_26 = tpu.vector_load %arg7[%get3A] {strides = array<i32>} : memref<12800xi32, #tpu.memory_space<vmem>>, vector<16xi32>,
        %get3A_27 = arith.index_cast %add3A_25 : i32 to index
        %get3A_28 = tpu.vector_load %arg8[%get3A_27] {strides = array<i32>} : memref<12800xi32, #tpu.memory_space<vmem>>, vector<16xi32>,
        %get3A_29 = arith.index_cast %add3A_25 : i32 to index
        %get3A_30 = tpu.vector_load %arg9[%get3A_29] {strides = array<i32>} : memref<12800xf32, #tpu.memory_space<vmem>>, vector<16xf32>,
        %eq3A_31 = arith.cmpi eq, %get3A_26, %get3A_28 : vector<16xi32>
        %jit3A = arith.constant 0.000000e+00 : f32
        %broadcast_in_dim3A_32 = vector.broadcast %jit3A : f32 to vector<16xf32>
        %select_n3A = arith.select %eq3A_31, %broadcast_in_dim3A_32, %get3A_30 : vector<16xi1>, vector<16xf32>
        %sub3A = vector.broadcast %mul3A_0 : i32 to vector<16xi32>
        %sub3A_33 = arith.subi %get3A_28, %sub3A : vector<16xi32>
        %ge3A = arith.constant 0 : i32
        %ge3A_34 = vector.broadcast %ge3A : i32 to vector<16xi32>
        %ge3A_35 = arith.cmpi sge, %sub3A_33, %ge3A_34 : vector<16xi32>
        %lt3A = arith.constant 16 : i32
        %lt3A_36 = vector.broadcast %lt3A : i32 to vector<16xi32>
        %lt3A_37 = arith.cmpi slt, %sub3A_33, %lt3A_36 : vector<16xi32>
        %and3A = arith.andi %ge3A_35, %lt3A_37 : vector<16xi1>
        %jit3A_38 = arith.constant 0 : i32
        %broadcast_in_dim3A_39 = vector.broadcast %jit3A_38 : i32 to vector<16xi32>
        %select_n3A_40 = arith.select %and3A, %sub3A_33, %broadcast_in_dim3A_39 : vector<16xi1>, vector<16xi32>
        tpu.vector_store_idx %arg10[%select_n3A_40, %get3A_26], %select_n3A masked %and3A {add = true} : memref<16x256xf32, #tpu.memory_space<vmem>>[vector<16xi32>, vector<16xi32>], vector<16xf32>, vector<16xi1>
        %mul3A_41 = arith.constant 64 : i32
        %mul3A_42 = arith.muli %scan3A_22, %mul3A_41 : i32
        %add3A_43 = arith.constant 16 : i32
        %add3A_44 = arith.addi %mul3A_42, %add3A_43 : i32
        %get3A_45 = arith.index_cast %add3A_44 : i32 to index
        %get3A_46 = tpu.vector_load %arg7[%get3A_45] {strides = array<i32>} : memref<12800xi32, #tpu.memory_space<vmem>>, vector<16xi32>,
        %get3A_47 = arith.index_cast %add3A_44 : i32 to index
        %get3A_48 = tpu.vector_load %arg8[%get3A_47] {strides = array<i32>} : memref<12800xi32, #tpu.memory_space<vmem>>, vector<16xi32>,
        %get3A_49 = arith.index_cast %add3A_44 : i32 to index
        %get3A_50 = tpu.vector_load %arg9[%get3A_49] {strides = array<i32>} : memref<12800xf32, #tpu.memory_space<vmem>>, vector<16xf32>,
        %eq3A_51 = arith.cmpi eq, %get3A_46, %get3A_48 : vector<16xi32>
        %jit3A_52 = arith.constant 0.000000e+00 : f32
        %broadcast_in_dim3A_53 = vector.broadcast %jit3A_52 : f32 to vector<16xf32>
        %select_n3A_54 = arith.select %eq3A_51, %broadcast_in_dim3A_53, %get3A_50 : vector<16xi1>, vector<16xf32>
        %sub3A_55 = vector.broadcast %mul3A_0 : i32 to vector<16xi32>
        %sub3A_56 = arith.subi %get3A_48, %sub3A_55 : vector<16xi32>
        %ge3A_57 = arith.constant 0 : i32
        %ge3A_58 = vector.broadcast %ge3A_57 : i32 to vector<16xi32>
        %ge3A_59 = arith.cmpi sge, %sub3A_56, %ge3A_58 : vector<16xi32>
        %lt3A_60 = arith.constant 16 : i32
        %lt3A_61 = vector.broadcast %lt3A_60 : i32 to vector<16xi32>
        %lt3A_62 = arith.cmpi slt, %sub3A_56, %lt3A_61 : vector<16xi32>
        %and3A_63 = arith.andi %ge3A_59, %lt3A_62 : vector<16xi1>
        %jit3A_64 = arith.constant 0 : i32
        %broadcast_in_dim3A_65 = vector.broadcast %jit3A_64 : i32 to vector<16xi32>
        %select_n3A_66 = arith.select %and3A_63, %sub3A_56, %broadcast_in_dim3A_65 : vector<16xi1>, vector<16xi32>
        tpu.vector_store_idx %arg10[%select_n3A_66, %get3A_46], %select_n3A_54 masked %and3A_63 {add = true} : memref<16x256xf32, #tpu.memory_space<vmem>>[vector<16xi32>, vector<16xi32>], vector<16xf32>, vector<16xi1>
        %mul3A_67 = arith.constant 64 : i32
        %mul3A_68 = arith.muli %scan3A_22, %mul3A_67 : i32
        %add3A_69 = arith.constant 32 : i32
        %add3A_70 = arith.addi %mul3A_68, %add3A_69 : i32
        %get3A_71 = arith.index_cast %add3A_70 : i32 to index
        %get3A_72 = tpu.vector_load %arg7[%get3A_71] {strides = array<i32>} : memref<12800xi32, #tpu.memory_space<vmem>>, vector<16xi32>,
        %get3A_73 = arith.index_cast %add3A_70 : i32 to index
        %get3A_74 = tpu.vector_load %arg8[%get3A_73] {strides = array<i32>} : memref<12800xi32, #tpu.memory_space<vmem>>, vector<16xi32>,
        %get3A_75 = arith.index_cast %add3A_70 : i32 to index
        %get3A_76 = tpu.vector_load %arg9[%get3A_75] {strides = array<i32>} : memref<12800xf32, #tpu.memory_space<vmem>>, vector<16xf32>,
        %eq3A_77 = arith.cmpi eq, %get3A_72, %get3A_74 : vector<16xi32>
        %jit3A_78 = arith.constant 0.000000e+00 : f32
        %broadcast_in_dim3A_79 = vector.broadcast %jit3A_78 : f32 to vector<16xf32>
        %select_n3A_80 = arith.select %eq3A_77, %broadcast_in_dim3A_79, %get3A_76 : vector<16xi1>, vector<16xf32>
        %sub3A_81 = vector.broadcast %mul3A_0 : i32 to vector<16xi32>
        %sub3A_82 = arith.subi %get3A_74, %sub3A_81 : vector<16xi32>
        %ge3A_83 = arith.constant 0 : i32
        %ge3A_84 = vector.broadcast %ge3A_83 : i32 to vector<16xi32>
        %ge3A_85 = arith.cmpi sge, %sub3A_82, %ge3A_84 : vector<16xi32>
        %lt3A_86 = arith.constant 16 : i32
        %lt3A_87 = vector.broadcast %lt3A_86 : i32 to vector<16xi32>
        %lt3A_88 = arith.cmpi slt, %sub3A_82, %lt3A_87 : vector<16xi32>
        %and3A_89 = arith.andi %ge3A_85, %lt3A_88 : vector<16xi1>
        %jit3A_90 = arith.constant 0 : i32
        %broadcast_in_dim3A_91 = vector.broadcast %jit3A_90 : i32 to vector<16xi32>
        %select_n3A_92 = arith.select %and3A_89, %sub3A_82, %broadcast_in_dim3A_91 : vector<16xi1>, vector<16xi32>
        tpu.vector_store_idx %arg10[%select_n3A_92, %get3A_72], %select_n3A_80 masked %and3A_89 {add = true} : memref<16x256xf32, #tpu.memory_space<vmem>>[vector<16xi32>, vector<16xi32>], vector<16xf32>, vector<16xi1>
        %mul3A_93 = arith.constant 64 : i32
        %mul3A_94 = arith.muli %scan3A_22, %mul3A_93 : i32
        %add3A_95 = arith.constant 48 : i32
        %add3A_96 = arith.addi %mul3A_94, %add3A_95 : i32
        %get3A_97 = arith.index_cast %add3A_96 : i32 to index
        %get3A_98 = tpu.vector_load %arg7[%get3A_97] {strides = array<i32>} : memref<12800xi32, #tpu.memory_space<vmem>>, vector<16xi32>,
        %get3A_99 = arith.index_cast %add3A_96 : i32 to index
        %get3A_100 = tpu.vector_load %arg8[%get3A_99] {strides = array<i32>} : memref<12800xi32, #tpu.memory_space<vmem>>, vector<16xi32>,
        %get3A_101 = arith.index_cast %add3A_96 : i32 to index
        %get3A_102 = tpu.vector_load %arg9[%get3A_101] {strides = array<i32>} : memref<12800xf32, #tpu.memory_space<vmem>>, vector<16xf32>,
        %eq3A_103 = arith.cmpi eq, %get3A_98, %get3A_100 : vector<16xi32>
        %jit3A_104 = arith.constant 0.000000e+00 : f32
        %broadcast_in_dim3A_105 = vector.broadcast %jit3A_104 : f32 to vector<16xf32>
        %select_n3A_106 = arith.select %eq3A_103, %broadcast_in_dim3A_105, %get3A_102 : vector<16xi1>, vector<16xf32>
        %sub3A_107 = vector.broadcast %mul3A_0 : i32 to vector<16xi32>
        %sub3A_108 = arith.subi %get3A_100, %sub3A_107 : vector<16xi32>
        %ge3A_109 = arith.constant 0 : i32
        %ge3A_110 = vector.broadcast %ge3A_109 : i32 to vector<16xi32>
        %ge3A_111 = arith.cmpi sge, %sub3A_108, %ge3A_110 : vector<16xi32>
        %lt3A_112 = arith.constant 16 : i32
        %lt3A_113 = vector.broadcast %lt3A_112 : i32 to vector<16xi32>
        %lt3A_114 = arith.cmpi slt, %sub3A_108, %lt3A_113 : vector<16xi32>
        %and3A_115 = arith.andi %ge3A_111, %lt3A_114 : vector<16xi1>
        %jit3A_116 = arith.constant 0 : i32
        %broadcast_in_dim3A_117 = vector.broadcast %jit3A_116 : i32 to vector<16xi32>
        %select_n3A_118 = arith.select %and3A_115, %sub3A_108, %broadcast_in_dim3A_117 : vector<16xi1>, vector<16xi32>
        tpu.vector_store_idx %arg10[%select_n3A_118, %get3A_98], %select_n3A_106 masked %and3A_115 {add = true} : memref<16x256xf32, #tpu.memory_space<vmem>>[vector<16xi32>, vector<16xi32>], vector<16xf32>, vector<16xi1>
      }
      %scan3A_20 = arith.constant 200 : i32
      %run_scoped3A_21 = arith.constant 0 : i32
      "tpu.region"() ({
        %run_scoped3A_22 = tpu.sem_alloc : memref<!tpu.dma_semaphore, #tpu.memory_space<semaphore_mem>>
        %dma_start3A = arith.constant 0 : i32
        %dma_start3A_23 = tpu.memref_slice %arg6[%run_scoped3A_21, %mul3A_0, %dma_start3A] : memref<2x256x256xf32, #tpu.memory_space<hbm>> -> memref<1x16x256xf32, #tpu.memory_space<hbm>>
        %dma_start3A_24 = tpu.memref_squeeze %dma_start3A_23 : memref<1x16x256xf32, #tpu.memory_space<hbm>> -> memref<16x256xf32, #tpu.memory_space<hbm>>
        %dma_start3A_25 = arith.constant 0 : i32
        %dma_start3A_26 = tpu.memref_slice %arg6[%run_scoped3A_21, %mul3A_0, %dma_start3A_25] : memref<2x256x256xf32, #tpu.memory_space<hbm>> -> memref<1x16x256xf32, #tpu.memory_space<hbm>>
        %dma_start3A_27 = tpu.memref_squeeze %dma_start3A_26 : memref<1x16x256xf32, #tpu.memory_space<hbm>> -> memref<16x256xf32, #tpu.memory_space<hbm>>
        tpu.enqueue_dma source(%arg10 : memref<16x256xf32, #tpu.memory_space<vmem>>) target(%dma_start3A_27 : memref<16x256xf32, #tpu.memory_space<hbm>>) target_semaphore(%run_scoped3A_22 : memref<!tpu.dma_semaphore, #tpu.memory_space<semaphore_mem>>)
        %dma_wait3A = arith.constant 0 : i32
        %dma_wait3A_28 = tpu.memref_slice %arg6[%run_scoped3A_21, %mul3A_0, %dma_wait3A] : memref<2x256x256xf32, #tpu.memory_space<hbm>> -> memref<1x16x256xf32, #tpu.memory_space<hbm>>
        %dma_wait3A_29 = tpu.memref_squeeze %dma_wait3A_28 : memref<1x16x256xf32, #tpu.memory_space<hbm>> -> memref<16x256xf32, #tpu.memory_space<hbm>>
        %dma_wait3A_30 = arith.constant 0 : i32
        %dma_wait3A_31 = tpu.memref_slice %arg6[%run_scoped3A_21, %mul3A_0, %dma_wait3A_30] : memref<2x256x256xf32, #tpu.memory_space<hbm>> -> memref<1x16x256xf32, #tpu.memory_space<hbm>>
        %dma_wait3A_32 = tpu.memref_squeeze %dma_wait3A_31 : memref<1x16x256xf32, #tpu.memory_space<hbm>> -> memref<16x256xf32, #tpu.memory_space<hbm>>
        tpu.wait_dma2 semaphore(%run_scoped3A_22 : memref<!tpu.dma_semaphore, #tpu.memory_space<semaphore_mem>>) src(%arg10 : memref<16x256xf32, #tpu.memory_space<vmem>>) dst(%dma_wait3A_32 : memref<16x256xf32, #tpu.memory_space<hbm>>)
        tpu.yield
      }) : () -> ()
    } else {
    }
    %eq3A_4 = arith.constant 1 : i32
    %eq3A_5 = arith.cmpi eq, %arg0, %eq3A_4 : i32
    %convert_element_type3A_6 = arith.extui %eq3A_5 : i1 to i32
    %cond3A_7 = arith.constant 0 : i32
    %cond3A_8 = arith.cmpi ne, %convert_element_type3A_6, %cond3A_7 : i32
    scf.if %cond3A_8 {
      %run_scoped3A = arith.constant 0 : i32
      "tpu.region"() ({
        %run_scoped3A_22 = tpu.sem_alloc : memref<!tpu.dma_semaphore, #tpu.memory_space<semaphore_mem>>
        %dma_start3A = arith.constant 0 : i32
        %dma_start3A_23 = tpu.memref_slice %arg4[%run_scoped3A, %dma_start3A] : memref<2x12800xi32, #tpu.memory_space<hbm>> -> memref<1x12800xi32, #tpu.memory_space<hbm>>
        %dma_start3A_24 = tpu.memref_squeeze %dma_start3A_23 : memref<1x12800xi32, #tpu.memory_space<hbm>> -> memref<12800xi32, #tpu.memory_space<hbm>>
        %dma_start3A_25 = arith.constant 0 : i32
        %dma_start3A_26 = tpu.memref_slice %arg4[%run_scoped3A, %dma_start3A_25] : memref<2x12800xi32, #tpu.memory_space<hbm>> -> memref<1x12800xi32, #tpu.memory_space<hbm>>
        %dma_start3A_27 = tpu.memref_squeeze %dma_start3A_26 : memref<1x12800xi32, #tpu.memory_space<hbm>> -> memref<12800xi32, #tpu.memory_space<hbm>>
        tpu.enqueue_dma source(%dma_start3A_27 : memref<12800xi32, #tpu.memory_space<hbm>>) target(%arg7 : memref<12800xi32, #tpu.memory_space<vmem>>) target_semaphore(%run_scoped3A_22 : memref<!tpu.dma_semaphore, #tpu.memory_space<semaphore_mem>>)
        %dma_wait3A = arith.constant 0 : i32
        %dma_wait3A_28 = tpu.memref_slice %arg4[%run_scoped3A, %dma_wait3A] : memref<2x12800xi32, #tpu.memory_space<hbm>> -> memref<1x12800xi32, #tpu.memory_space<hbm>>
        %dma_wait3A_29 = tpu.memref_squeeze %dma_wait3A_28 : memref<1x12800xi32, #tpu.memory_space<hbm>> -> memref<12800xi32, #tpu.memory_space<hbm>>
        %dma_wait3A_30 = arith.constant 0 : i32
        %dma_wait3A_31 = tpu.memref_slice %arg4[%run_scoped3A, %dma_wait3A_30] : memref<2x12800xi32, #tpu.memory_space<hbm>> -> memref<1x12800xi32, #tpu.memory_space<hbm>>
        %dma_wait3A_32 = tpu.memref_squeeze %dma_wait3A_31 : memref<1x12800xi32, #tpu.memory_space<hbm>> -> memref<12800xi32, #tpu.memory_space<hbm>>
        tpu.wait_dma2 semaphore(%run_scoped3A_22 : memref<!tpu.dma_semaphore, #tpu.memory_space<semaphore_mem>>) src(%dma_wait3A_32 : memref<12800xi32, #tpu.memory_space<hbm>>) dst(%arg7 : memref<12800xi32, #tpu.memory_space<vmem>>)
        tpu.yield
      }) : () -> ()
      %run_scoped3A_9 = arith.constant 1 : i32
      "tpu.region"() ({
        %run_scoped3A_22 = tpu.sem_alloc : memref<!tpu.dma_semaphore, #tpu.memory_space<semaphore_mem>>
        %dma_start3A = arith.constant 0 : i32
        %dma_start3A_23 = tpu.memref_slice %arg4[%run_scoped3A_9, %dma_start3A] : memref<2x12800xi32, #tpu.memory_space<hbm>> -> memref<1x12800xi32, #tpu.memory_space<hbm>>
        %dma_start3A_24 = tpu.memref_squeeze %dma_start3A_23 : memref<1x12800xi32, #tpu.memory_space<hbm>> -> memref<12800xi32, #tpu.memory_space<hbm>>
        %dma_start3A_25 = arith.constant 0 : i32
        %dma_start3A_26 = tpu.memref_slice %arg4[%run_scoped3A_9, %dma_start3A_25] : memref<2x12800xi32, #tpu.memory_space<hbm>> -> memref<1x12800xi32, #tpu.memory_space<hbm>>
        %dma_start3A_27 = tpu.memref_squeeze %dma_start3A_26 : memref<1x12800xi32, #tpu.memory_space<hbm>> -> memref<12800xi32, #tpu.memory_space<hbm>>
        tpu.enqueue_dma source(%dma_start3A_27 : memref<12800xi32, #tpu.memory_space<hbm>>) target(%arg8 : memref<12800xi32, #tpu.memory_space<vmem>>) target_semaphore(%run_scoped3A_22 : memref<!tpu.dma_semaphore, #tpu.memory_space<semaphore_mem>>)
        %dma_wait3A = arith.constant 0 : i32
        %dma_wait3A_28 = tpu.memref_slice %arg4[%run_scoped3A_9, %dma_wait3A] : memref<2x12800xi32, #tpu.memory_space<hbm>> -> memref<1x12800xi32, #tpu.memory_space<hbm>>
        %dma_wait3A_29 = tpu.memref_squeeze %dma_wait3A_28 : memref<1x12800xi32, #tpu.memory_space<hbm>> -> memref<12800xi32, #tpu.memory_space<hbm>>
        %dma_wait3A_30 = arith.constant 0 : i32
        %dma_wait3A_31 = tpu.memref_slice %arg4[%run_scoped3A_9, %dma_wait3A_30] : memref<2x12800xi32, #tpu.memory_space<hbm>> -> memref<1x12800xi32, #tpu.memory_space<hbm>>
        %dma_wait3A_32 = tpu.memref_squeeze %dma_wait3A_31 : memref<1x12800xi32, #tpu.memory_space<hbm>> -> memref<12800xi32, #tpu.memory_space<hbm>>
        tpu.wait_dma2 semaphore(%run_scoped3A_22 : memref<!tpu.dma_semaphore, #tpu.memory_space<semaphore_mem>>) src(%dma_wait3A_32 : memref<12800xi32, #tpu.memory_space<hbm>>) dst(%arg8 : memref<12800xi32, #tpu.memory_space<vmem>>)
        tpu.yield
      }) : () -> ()
      "tpu.region"() ({
        %run_scoped3A_22 = tpu.sem_alloc : memref<!tpu.dma_semaphore, #tpu.memory_space<semaphore_mem>>
        tpu.enqueue_dma source(%arg5 : memref<12800xf32, #tpu.memory_space<hbm>>) target(%arg9 : memref<12800xf32, #tpu.memory_space<vmem>>) target_semaphore(%run_scoped3A_22 : memref<!tpu.dma_semaphore, #tpu.memory_space<semaphore_mem>>)
        tpu.wait_dma2 semaphore(%run_scoped3A_22 : memref<!tpu.dma_semaphore, #tpu.memory_space<semaphore_mem>>) src(%arg5 : memref<12800xf32, #tpu.memory_space<hbm>>) dst(%arg9 : memref<12800xf32, #tpu.memory_space<vmem>>)
        tpu.yield
      }) : () -> ()
      %scan3A = arith.constant 0 : i32
      %scan3A_10 = arith.constant 0 : i32
      %scan3A_11 = arith.constant 16 : i32
      %scan3A_12 = arith.addi %scan3A_10, %scan3A_11 : i32
      %scan3A_13 = arith.constant 1 : i32
      scf.for %scan3A_22 = %scan3A_10 to %scan3A_12 step %scan3A_13  : i32 {
        %swap3A = arith.index_cast %scan3A_22 : i32 to index
        %swap3A_23 = arith.constant 0 : index
        %swap3A_24 = tpu.vector_load %arg10[%swap3A, %swap3A_23] {strides = array<i32>} : memref<16x256xf32, #tpu.memory_space<vmem>>, vector<16xf32>,
        tpu.vector_store %arg10[%swap3A, %swap3A_23], %broadcast_in_dim3A_1 {strides = array<i32>} : memref<16x256xf32, #tpu.memory_space<vmem>>, vector<16xf32>,
        %swap3A_25 = arith.index_cast %scan3A_22 : i32 to index
        %swap3A_26 = arith.constant 16 : index
        %swap3A_27 = tpu.vector_load %arg10[%swap3A_25, %swap3A_26] {strides = array<i32>} : memref<16x256xf32, #tpu.memory_space<vmem>>, vector<16xf32>,
        tpu.vector_store %arg10[%swap3A_25, %swap3A_26], %broadcast_in_dim3A_1 {strides = array<i32>} : memref<16x256xf32, #tpu.memory_space<vmem>>, vector<16xf32>,
        %swap3A_28 = arith.index_cast %scan3A_22 : i32 to index
        %swap3A_29 = arith.constant 32 : index
        %swap3A_30 = tpu.vector_load %arg10[%swap3A_28, %swap3A_29] {strides = array<i32>} : memref<16x256xf32, #tpu.memory_space<vmem>>, vector<16xf32>,
        tpu.vector_store %arg10[%swap3A_28, %swap3A_29], %broadcast_in_dim3A_1 {strides = array<i32>} : memref<16x256xf32, #tpu.memory_space<vmem>>, vector<16xf32>,
        %swap3A_31 = arith.index_cast %scan3A_22 : i32 to index
        %swap3A_32 = arith.constant 48 : index
        %swap3A_33 = tpu.vector_load %arg10[%swap3A_31, %swap3A_32] {strides = array<i32>} : memref<16x256xf32, #tpu.memory_space<vmem>>, vector<16xf32>,
        tpu.vector_store %arg10[%swap3A_31, %swap3A_32], %broadcast_in_dim3A_1 {strides = array<i32>} : memref<16x256xf32, #tpu.memory_space<vmem>>, vector<16xf32>,
        %swap3A_34 = arith.index_cast %scan3A_22 : i32 to index
        %swap3A_35 = arith.constant 64 : index
        %swap3A_36 = tpu.vector_load %arg10[%swap3A_34, %swap3A_35] {strides = array<i32>} : memref<16x256xf32, #tpu.memory_space<vmem>>, vector<16xf32>,
        tpu.vector_store %arg10[%swap3A_34, %swap3A_35], %broadcast_in_dim3A_1 {strides = array<i32>} : memref<16x256xf32, #tpu.memory_space<vmem>>, vector<16xf32>,
        %swap3A_37 = arith.index_cast %scan3A_22 : i32 to index
        %swap3A_38 = arith.constant 80 : index
        %swap3A_39 = tpu.vector_load %arg10[%swap3A_37, %swap3A_38] {strides = array<i32>} : memref<16x256xf32, #tpu.memory_space<vmem>>, vector<16xf32>,
        tpu.vector_store %arg10[%swap3A_37, %swap3A_38], %broadcast_in_dim3A_1 {strides = array<i32>} : memref<16x256xf32, #tpu.memory_space<vmem>>, vector<16xf32>,
        %swap3A_40 = arith.index_cast %scan3A_22 : i32 to index
        %swap3A_41 = arith.constant 96 : index
        %swap3A_42 = tpu.vector_load %arg10[%swap3A_40, %swap3A_41] {strides = array<i32>} : memref<16x256xf32, #tpu.memory_space<vmem>>, vector<16xf32>,
        tpu.vector_store %arg10[%swap3A_40, %swap3A_41], %broadcast_in_dim3A_1 {strides = array<i32>} : memref<16x256xf32, #tpu.memory_space<vmem>>, vector<16xf32>,
        %swap3A_43 = arith.index_cast %scan3A_22 : i32 to index
        %swap3A_44 = arith.constant 112 : index
        %swap3A_45 = tpu.vector_load %arg10[%swap3A_43, %swap3A_44] {strides = array<i32>} : memref<16x256xf32, #tpu.memory_space<vmem>>, vector<16xf32>,
        tpu.vector_store %arg10[%swap3A_43, %swap3A_44], %broadcast_in_dim3A_1 {strides = array<i32>} : memref<16x256xf32, #tpu.memory_space<vmem>>, vector<16xf32>,
        %swap3A_46 = arith.index_cast %scan3A_22 : i32 to index
        %swap3A_47 = arith.constant 128 : index
        %swap3A_48 = tpu.vector_load %arg10[%swap3A_46, %swap3A_47] {strides = array<i32>} : memref<16x256xf32, #tpu.memory_space<vmem>>, vector<16xf32>,
        tpu.vector_store %arg10[%swap3A_46, %swap3A_47], %broadcast_in_dim3A_1 {strides = array<i32>} : memref<16x256xf32, #tpu.memory_space<vmem>>, vector<16xf32>,
        %swap3A_49 = arith.index_cast %scan3A_22 : i32 to index
        %swap3A_50 = arith.constant 144 : index
        %swap3A_51 = tpu.vector_load %arg10[%swap3A_49, %swap3A_50] {strides = array<i32>} : memref<16x256xf32, #tpu.memory_space<vmem>>, vector<16xf32>,
        tpu.vector_store %arg10[%swap3A_49, %swap3A_50], %broadcast_in_dim3A_1 {strides = array<i32>} : memref<16x256xf32, #tpu.memory_space<vmem>>, vector<16xf32>,
        %swap3A_52 = arith.index_cast %scan3A_22 : i32 to index
        %swap3A_53 = arith.constant 160 : index
        %swap3A_54 = tpu.vector_load %arg10[%swap3A_52, %swap3A_53] {strides = array<i32>} : memref<16x256xf32, #tpu.memory_space<vmem>>, vector<16xf32>,
        tpu.vector_store %arg10[%swap3A_52, %swap3A_53], %broadcast_in_dim3A_1 {strides = array<i32>} : memref<16x256xf32, #tpu.memory_space<vmem>>, vector<16xf32>,
        %swap3A_55 = arith.index_cast %scan3A_22 : i32 to index
        %swap3A_56 = arith.constant 176 : index
        %swap3A_57 = tpu.vector_load %arg10[%swap3A_55, %swap3A_56] {strides = array<i32>} : memref<16x256xf32, #tpu.memory_space<vmem>>, vector<16xf32>,
        tpu.vector_store %arg10[%swap3A_55, %swap3A_56], %broadcast_in_dim3A_1 {strides = array<i32>} : memref<16x256xf32, #tpu.memory_space<vmem>>, vector<16xf32>,
        %swap3A_58 = arith.index_cast %scan3A_22 : i32 to index
        %swap3A_59 = arith.constant 192 : index
        %swap3A_60 = tpu.vector_load %arg10[%swap3A_58, %swap3A_59] {strides = array<i32>} : memref<16x256xf32, #tpu.memory_space<vmem>>, vector<16xf32>,
        tpu.vector_store %arg10[%swap3A_58, %swap3A_59], %broadcast_in_dim3A_1 {strides = array<i32>} : memref<16x256xf32, #tpu.memory_space<vmem>>, vector<16xf32>,
        %swap3A_61 = arith.index_cast %scan3A_22 : i32 to index
        %swap3A_62 = arith.constant 208 : index
        %swap3A_63 = tpu.vector_load %arg10[%swap3A_61, %swap3A_62] {strides = array<i32>} : memref<16x256xf32, #tpu.memory_space<vmem>>, vector<16xf32>,
        tpu.vector_store %arg10[%swap3A_61, %swap3A_62], %broadcast_in_dim3A_1 {strides = array<i32>} : memref<16x256xf32, #tpu.memory_space<vmem>>, vector<16xf32>,
        %swap3A_64 = arith.index_cast %scan3A_22 : i32 to index
        %swap3A_65 = arith.constant 224 : index
        %swap3A_66 = tpu.vector_load %arg10[%swap3A_64, %swap3A_65] {strides = array<i32>} : memref<16x256xf32, #tpu.memory_space<vmem>>, vector<16xf32>,
        tpu.vector_store %arg10[%swap3A_64, %swap3A_65], %broadcast_in_dim3A_1 {strides = array<i32>} : memref<16x256xf32, #tpu.memory_space<vmem>>, vector<16xf32>,
        %swap3A_67 = arith.index_cast %scan3A_22 : i32 to index
        %swap3A_68 = arith.constant 240 : index
        %swap3A_69 = tpu.vector_load %arg10[%swap3A_67, %swap3A_68] {strides = array<i32>} : memref<16x256xf32, #tpu.memory_space<vmem>>, vector<16xf32>,
        tpu.vector_store %arg10[%swap3A_67, %swap3A_68], %broadcast_in_dim3A_1 {strides = array<i32>} : memref<16x256xf32, #tpu.memory_space<vmem>>, vector<16xf32>,
      }
      %scan3A_14 = arith.constant 16 : i32
      %scan3A_15 = arith.constant 0 : i32
      %scan3A_16 = arith.constant 0 : i32
      %scan3A_17 = arith.constant 200 : i32
      %scan3A_18 = arith.addi %scan3A_16, %scan3A_17 : i32
      %scan3A_19 = arith.constant 1 : i32
      scf.for %scan3A_22 = %scan3A_16 to %scan3A_18 step %scan3A_19  : i32 {
        %mul3A_23 = arith.constant 64 : i32
        %mul3A_24 = arith.muli %scan3A_22, %mul3A_23 : i32
        %add3A = arith.constant 0 : i32
        %add3A_25 = arith.addi %mul3A_24, %add3A : i32
        %get3A = arith.index_cast %add3A_25 : i32 to index
        %get3A_26 = tpu.vector_load %arg7[%get3A] {strides = array<i32>} : memref<12800xi32, #tpu.memory_space<vmem>>, vector<16xi32>,
        %get3A_27 = arith.index_cast %add3A_25 : i32 to index
        %get3A_28 = tpu.vector_load %arg8[%get3A_27] {strides = array<i32>} : memref<12800xi32, #tpu.memory_space<vmem>>, vector<16xi32>,
        %get3A_29 = arith.index_cast %add3A_25 : i32 to index
        %get3A_30 = tpu.vector_load %arg9[%get3A_29] {strides = array<i32>} : memref<12800xf32, #tpu.memory_space<vmem>>, vector<16xf32>,
        %eq3A_31 = arith.cmpi eq, %get3A_26, %get3A_28 : vector<16xi32>
        %jit3A = arith.constant 0.000000e+00 : f32
        %broadcast_in_dim3A_32 = vector.broadcast %jit3A : f32 to vector<16xf32>
        %select_n3A = arith.select %eq3A_31, %broadcast_in_dim3A_32, %get3A_30 : vector<16xi1>, vector<16xf32>
        %sub3A = vector.broadcast %mul3A_0 : i32 to vector<16xi32>
        %sub3A_33 = arith.subi %get3A_28, %sub3A : vector<16xi32>
        %ge3A = arith.constant 0 : i32
        %ge3A_34 = vector.broadcast %ge3A : i32 to vector<16xi32>
        %ge3A_35 = arith.cmpi sge, %sub3A_33, %ge3A_34 : vector<16xi32>
        %lt3A = arith.constant 16 : i32
        %lt3A_36 = vector.broadcast %lt3A : i32 to vector<16xi32>
        %lt3A_37 = arith.cmpi slt, %sub3A_33, %lt3A_36 : vector<16xi32>
        %and3A = arith.andi %ge3A_35, %lt3A_37 : vector<16xi1>
        %jit3A_38 = arith.constant 0 : i32
        %broadcast_in_dim3A_39 = vector.broadcast %jit3A_38 : i32 to vector<16xi32>
        %select_n3A_40 = arith.select %and3A, %sub3A_33, %broadcast_in_dim3A_39 : vector<16xi1>, vector<16xi32>
        tpu.vector_store_idx %arg10[%select_n3A_40, %get3A_26], %select_n3A masked %and3A {add = true} : memref<16x256xf32, #tpu.memory_space<vmem>>[vector<16xi32>, vector<16xi32>], vector<16xf32>, vector<16xi1>
        %mul3A_41 = arith.constant 64 : i32
        %mul3A_42 = arith.muli %scan3A_22, %mul3A_41 : i32
        %add3A_43 = arith.constant 16 : i32
        %add3A_44 = arith.addi %mul3A_42, %add3A_43 : i32
        %get3A_45 = arith.index_cast %add3A_44 : i32 to index
        %get3A_46 = tpu.vector_load %arg7[%get3A_45] {strides = array<i32>} : memref<12800xi32, #tpu.memory_space<vmem>>, vector<16xi32>,
        %get3A_47 = arith.index_cast %add3A_44 : i32 to index
        %get3A_48 = tpu.vector_load %arg8[%get3A_47] {strides = array<i32>} : memref<12800xi32, #tpu.memory_space<vmem>>, vector<16xi32>,
        %get3A_49 = arith.index_cast %add3A_44 : i32 to index
        %get3A_50 = tpu.vector_load %arg9[%get3A_49] {strides = array<i32>} : memref<12800xf32, #tpu.memory_space<vmem>>, vector<16xf32>,
        %eq3A_51 = arith.cmpi eq, %get3A_46, %get3A_48 : vector<16xi32>
        %jit3A_52 = arith.constant 0.000000e+00 : f32
        %broadcast_in_dim3A_53 = vector.broadcast %jit3A_52 : f32 to vector<16xf32>
        %select_n3A_54 = arith.select %eq3A_51, %broadcast_in_dim3A_53, %get3A_50 : vector<16xi1>, vector<16xf32>
        %sub3A_55 = vector.broadcast %mul3A_0 : i32 to vector<16xi32>
        %sub3A_56 = arith.subi %get3A_48, %sub3A_55 : vector<16xi32>
        %ge3A_57 = arith.constant 0 : i32
        %ge3A_58 = vector.broadcast %ge3A_57 : i32 to vector<16xi32>
        %ge3A_59 = arith.cmpi sge, %sub3A_56, %ge3A_58 : vector<16xi32>
        %lt3A_60 = arith.constant 16 : i32
        %lt3A_61 = vector.broadcast %lt3A_60 : i32 to vector<16xi32>
        %lt3A_62 = arith.cmpi slt, %sub3A_56, %lt3A_61 : vector<16xi32>
        %and3A_63 = arith.andi %ge3A_59, %lt3A_62 : vector<16xi1>
        %jit3A_64 = arith.constant 0 : i32
        %broadcast_in_dim3A_65 = vector.broadcast %jit3A_64 : i32 to vector<16xi32>
        %select_n3A_66 = arith.select %and3A_63, %sub3A_56, %broadcast_in_dim3A_65 : vector<16xi1>, vector<16xi32>
        tpu.vector_store_idx %arg10[%select_n3A_66, %get3A_46], %select_n3A_54 masked %and3A_63 {add = true} : memref<16x256xf32, #tpu.memory_space<vmem>>[vector<16xi32>, vector<16xi32>], vector<16xf32>, vector<16xi1>
        %mul3A_67 = arith.constant 64 : i32
        %mul3A_68 = arith.muli %scan3A_22, %mul3A_67 : i32
        %add3A_69 = arith.constant 32 : i32
        %add3A_70 = arith.addi %mul3A_68, %add3A_69 : i32
        %get3A_71 = arith.index_cast %add3A_70 : i32 to index
        %get3A_72 = tpu.vector_load %arg7[%get3A_71] {strides = array<i32>} : memref<12800xi32, #tpu.memory_space<vmem>>, vector<16xi32>,
        %get3A_73 = arith.index_cast %add3A_70 : i32 to index
        %get3A_74 = tpu.vector_load %arg8[%get3A_73] {strides = array<i32>} : memref<12800xi32, #tpu.memory_space<vmem>>, vector<16xi32>,
        %get3A_75 = arith.index_cast %add3A_70 : i32 to index
        %get3A_76 = tpu.vector_load %arg9[%get3A_75] {strides = array<i32>} : memref<12800xf32, #tpu.memory_space<vmem>>, vector<16xf32>,
        %eq3A_77 = arith.cmpi eq, %get3A_72, %get3A_74 : vector<16xi32>
        %jit3A_78 = arith.constant 0.000000e+00 : f32
        %broadcast_in_dim3A_79 = vector.broadcast %jit3A_78 : f32 to vector<16xf32>
        %select_n3A_80 = arith.select %eq3A_77, %broadcast_in_dim3A_79, %get3A_76 : vector<16xi1>, vector<16xf32>
        %sub3A_81 = vector.broadcast %mul3A_0 : i32 to vector<16xi32>
        %sub3A_82 = arith.subi %get3A_74, %sub3A_81 : vector<16xi32>
        %ge3A_83 = arith.constant 0 : i32
        %ge3A_84 = vector.broadcast %ge3A_83 : i32 to vector<16xi32>
        %ge3A_85 = arith.cmpi sge, %sub3A_82, %ge3A_84 : vector<16xi32>
        %lt3A_86 = arith.constant 16 : i32
        %lt3A_87 = vector.broadcast %lt3A_86 : i32 to vector<16xi32>
        %lt3A_88 = arith.cmpi slt, %sub3A_82, %lt3A_87 : vector<16xi32>
        %and3A_89 = arith.andi %ge3A_85, %lt3A_88 : vector<16xi1>
        %jit3A_90 = arith.constant 0 : i32
        %broadcast_in_dim3A_91 = vector.broadcast %jit3A_90 : i32 to vector<16xi32>
        %select_n3A_92 = arith.select %and3A_89, %sub3A_82, %broadcast_in_dim3A_91 : vector<16xi1>, vector<16xi32>
        tpu.vector_store_idx %arg10[%select_n3A_92, %get3A_72], %select_n3A_80 masked %and3A_89 {add = true} : memref<16x256xf32, #tpu.memory_space<vmem>>[vector<16xi32>, vector<16xi32>], vector<16xf32>, vector<16xi1>
        %mul3A_93 = arith.constant 64 : i32
        %mul3A_94 = arith.muli %scan3A_22, %mul3A_93 : i32
        %add3A_95 = arith.constant 48 : i32
        %add3A_96 = arith.addi %mul3A_94, %add3A_95 : i32
        %get3A_97 = arith.index_cast %add3A_96 : i32 to index
        %get3A_98 = tpu.vector_load %arg7[%get3A_97] {strides = array<i32>} : memref<12800xi32, #tpu.memory_space<vmem>>, vector<16xi32>,
        %get3A_99 = arith.index_cast %add3A_96 : i32 to index
        %get3A_100 = tpu.vector_load %arg8[%get3A_99] {strides = array<i32>} : memref<12800xi32, #tpu.memory_space<vmem>>, vector<16xi32>,
        %get3A_101 = arith.index_cast %add3A_96 : i32 to index
        %get3A_102 = tpu.vector_load %arg9[%get3A_101] {strides = array<i32>} : memref<12800xf32, #tpu.memory_space<vmem>>, vector<16xf32>,
        %eq3A_103 = arith.cmpi eq, %get3A_98, %get3A_100 : vector<16xi32>
        %jit3A_104 = arith.constant 0.000000e+00 : f32
        %broadcast_in_dim3A_105 = vector.broadcast %jit3A_104 : f32 to vector<16xf32>
        %select_n3A_106 = arith.select %eq3A_103, %broadcast_in_dim3A_105, %get3A_102 : vector<16xi1>, vector<16xf32>
        %sub3A_107 = vector.broadcast %mul3A_0 : i32 to vector<16xi32>
        %sub3A_108 = arith.subi %get3A_100, %sub3A_107 : vector<16xi32>
        %ge3A_109 = arith.constant 0 : i32
        %ge3A_110 = vector.broadcast %ge3A_109 : i32 to vector<16xi32>
        %ge3A_111 = arith.cmpi sge, %sub3A_108, %ge3A_110 : vector<16xi32>
        %lt3A_112 = arith.constant 16 : i32
        %lt3A_113 = vector.broadcast %lt3A_112 : i32 to vector<16xi32>
        %lt3A_114 = arith.cmpi slt, %sub3A_108, %lt3A_113 : vector<16xi32>
        %and3A_115 = arith.andi %ge3A_111, %lt3A_114 : vector<16xi1>
        %jit3A_116 = arith.constant 0 : i32
        %broadcast_in_dim3A_117 = vector.broadcast %jit3A_116 : i32 to vector<16xi32>
        %select_n3A_118 = arith.select %and3A_115, %sub3A_108, %broadcast_in_dim3A_117 : vector<16xi1>, vector<16xi32>
        tpu.vector_store_idx %arg10[%select_n3A_118, %get3A_98], %select_n3A_106 masked %and3A_115 {add = true} : memref<16x256xf32, #tpu.memory_space<vmem>>[vector<16xi32>, vector<16xi32>], vector<16xf32>, vector<16xi1>
      }
      %scan3A_20 = arith.constant 200 : i32
      %run_scoped3A_21 = arith.constant 1 : i32
      "tpu.region"() ({
        %run_scoped3A_22 = tpu.sem_alloc : memref<!tpu.dma_semaphore, #tpu.memory_space<semaphore_mem>>
        %dma_start3A = arith.constant 0 : i32
        %dma_start3A_23 = tpu.memref_slice %arg6[%run_scoped3A_21, %mul3A_0, %dma_start3A] : memref<2x256x256xf32, #tpu.memory_space<hbm>> -> memref<1x16x256xf32, #tpu.memory_space<hbm>>
        %dma_start3A_24 = tpu.memref_squeeze %dma_start3A_23 : memref<1x16x256xf32, #tpu.memory_space<hbm>> -> memref<16x256xf32, #tpu.memory_space<hbm>>
        %dma_start3A_25 = arith.constant 0 : i32
        %dma_start3A_26 = tpu.memref_slice %arg6[%run_scoped3A_21, %mul3A_0, %dma_start3A_25] : memref<2x256x256xf32, #tpu.memory_space<hbm>> -> memref<1x16x256xf32, #tpu.memory_space<hbm>>
        %dma_start3A_27 = tpu.memref_squeeze %dma_start3A_26 : memref<1x16x256xf32, #tpu.memory_space<hbm>> -> memref<16x256xf32, #tpu.memory_space<hbm>>
        tpu.enqueue_dma source(%arg10 : memref<16x256xf32, #tpu.memory_space<vmem>>) target(%dma_start3A_27 : memref<16x256xf32, #tpu.memory_space<hbm>>) target_semaphore(%run_scoped3A_22 : memref<!tpu.dma_semaphore, #tpu.memory_space<semaphore_mem>>)
        %dma_wait3A = arith.constant 0 : i32
        %dma_wait3A_28 = tpu.memref_slice %arg6[%run_scoped3A_21, %mul3A_0, %dma_wait3A] : memref<2x256x256xf32, #tpu.memory_space<hbm>> -> memref<1x16x256xf32, #tpu.memory_space<hbm>>
        %dma_wait3A_29 = tpu.memref_squeeze %dma_wait3A_28 : memref<1x16x256xf32, #tpu.memory_space<hbm>> -> memref<16x256xf32, #tpu.memory_space<hbm>>
        %dma_wait3A_30 = arith.constant 0 : i32
        %dma_wait3A_31 = tpu.memref_slice %arg6[%run_scoped3A_21, %mul3A_0, %dma_wait3A_30] : memref<2x256x256xf32, #tpu.memory_space<hbm>> -> memref<1x16x256xf32, #tpu.memory_space<hbm>>
        %dma_wait3A_32 = tpu.memref_squeeze %dma_wait3A_31 : memref<1x16x256xf32, #tpu.memory_space<hbm>> -> memref<16x256xf32, #tpu.memory_space<hbm>>
        tpu.wait_dma2 semaphore(%run_scoped3A_22 : memref<!tpu.dma_semaphore, #tpu.memory_space<semaphore_mem>>) src(%arg10 : memref<16x256xf32, #tpu.memory_space<vmem>>) dst(%dma_wait3A_32 : memref<16x256xf32, #tpu.memory_space<hbm>>)
        tpu.yield
      }) : () -> ()
    } else {
    }
    return
  }
}

module attributes {stable_mosaic.version = 14 : i64} {
  func.func @body(%arg0: memref<2x256x256xf32, #tpu.memory_space<vmem>>, %arg1: memref<200x512xf32, #tpu.memory_space<vmem>>, %arg2: memref<200x512xf32, #tpu.memory_space<vmem>>, %arg3: memref<3x512x512xf32, #tpu.memory_space<vmem>>, %arg4: memref<512xf32, #tpu.memory_space<vmem>>, %arg5: memref<3x512x256xf32, #tpu.memory_space<vmem>>, %arg6: memref<256xf32, #tpu.memory_space<vmem>>, %arg7: memref<200x100xf32, #tpu.memory_space<vmem>>, %arg8: memref<100xf32, #tpu.memory_space<vmem>>, %arg9: memref<100x1xf32, #tpu.memory_space<vmem>>, %arg10: memref<1xf32, #tpu.memory_space<vmem>>, %arg11: memref<256x1xf32, #tpu.memory_space<vmem>>) attributes {dimension_semantics = [], scalar_prefetch = 0 : i64, scratch_operands = 0 : i64, tpu.core_type = #tpu.core_type<tc>} {
    %broadcast_in_dim3A = arith.constant 0.000000e+00 : f32
    %broadcast_in_dim3A_0 = vector.broadcast %broadcast_in_dim3A : f32 to vector<56x512xf32>
    %get3A = arith.constant 0 : index
    %get3A_1 = arith.constant 0 : index
    %get3A_2 = vector.load %arg1[%get3A, %get3A_1] : memref<200x512xf32, #tpu.memory_space<vmem>>, vector<200x512xf32>
    %concatenate3A = tpu.concatenate %get3A_2, %broadcast_in_dim3A_0 in 0 : vector<200x512xf32>, vector<56x512xf32> -> vector<256x512xf32>
    %get3A_3 = arith.constant 0 : index
    %get3A_4 = arith.constant 0 : index
    %get3A_5 = vector.load %arg2[%get3A_3, %get3A_4] : memref<200x512xf32, #tpu.memory_space<vmem>>, vector<200x512xf32>
    %concatenate3A_6 = tpu.concatenate %get3A_5, %broadcast_in_dim3A_0 in 0 : vector<200x512xf32>, vector<56x512xf32> -> vector<256x512xf32>
    %get3A_7 = arith.constant 0 : index
    %get3A_8 = vector.load %arg4[%get3A_7] : memref<512xf32, #tpu.memory_space<vmem>>, vector<512xf32>
    %get3A_9 = arith.constant 0 : index
    %get3A_10 = vector.load %arg6[%get3A_9] : memref<256xf32, #tpu.memory_space<vmem>>, vector<256xf32>
    %get3A_11 = arith.constant 0 : index
    %get3A_12 = arith.constant 0 : index
    %get3A_13 = arith.constant 0 : index
    %get3A_14 = vector.load %arg0[%get3A_11, %get3A_12, %get3A_13] : memref<2x256x256xf32, #tpu.memory_space<vmem>>, vector<1x256x256xf32>
    %get3A_15 = vector.shape_cast %get3A_14 : vector<1x256x256xf32> to vector<256x256xf32>
    %reduce_sum3A = arith.constant dense<0.000000e+00> : vector<256xf32>
    %reduce_sum3A_16 = vector.multi_reduction <add>, %get3A_15, %reduce_sum3A [0] : vector<256x256xf32> to vector<256xf32>
    %gt3A = arith.constant 0.000000e+00 : f32
    %gt3A_17 = vector.broadcast %gt3A : f32 to vector<256xf32>
    %gt3A_18 = arith.cmpf ogt, %reduce_sum3A_16, %gt3A_17 : vector<256xf32>
    %jit3A = arith.constant 1.000000e+00 : f32
    %broadcast_in_dim3A_19 = vector.broadcast %jit3A : f32 to vector<256xf32>
    %select_n3A = arith.select %gt3A_18, %reduce_sum3A_16, %broadcast_in_dim3A_19 : vector<256xi1>, vector<256xf32>
    %gt3A_20 = arith.constant 0.000000e+00 : f32
    %gt3A_21 = vector.broadcast %gt3A_20 : f32 to vector<256xf32>
    %gt3A_22 = arith.cmpf ogt, %reduce_sum3A_16, %gt3A_21 : vector<256xf32>
    %sqrt3A = math.sqrt %select_n3A : vector<256xf32>
    %div3A = arith.constant 1.000000e+00 : f32
    %div3A_23 = vector.broadcast %div3A : f32 to vector<256xf32>
    %div3A_24 = arith.divf %div3A_23, %sqrt3A : vector<256xf32>
    %jit3A_25 = arith.constant 0.000000e+00 : f32
    %broadcast_in_dim3A_26 = vector.broadcast %jit3A_25 : f32 to vector<256xf32>
    %select_n3A_27 = arith.select %gt3A_22, %div3A_24, %broadcast_in_dim3A_26 : vector<256xi1>, vector<256xf32>
    %broadcast_in_dim3A_28 = vector.shape_cast %select_n3A_27 : vector<256xf32> to vector<256x1xf32>
    %mul3A = vector.broadcast %broadcast_in_dim3A_28 : vector<256x1xf32> to vector<256x256xf32>
    %mul3A_29 = arith.mulf %mul3A, %get3A_15 : vector<256x256xf32>
    %broadcast_in_dim3A_30 = vector.shape_cast %select_n3A_27 : vector<256xf32> to vector<1x256xf32>
    %mul3A_31 = vector.broadcast %broadcast_in_dim3A_30 : vector<1x256xf32> to vector<256x256xf32>
    %mul3A_32 = arith.mulf %mul3A_29, %mul3A_31 : vector<256x256xf32>
    %neg3A = arith.constant 0.000000e+00 : f32
    %neg3A_33 = vector.broadcast %neg3A : f32 to vector<256x256xf32>
    %neg3A_34 = arith.subf %neg3A_33, %mul3A_32 : vector<256x256xf32>
    %get3A_35 = arith.constant 0 : index
    %get3A_36 = arith.constant 0 : index
    %get3A_37 = arith.constant 0 : index
    %get3A_38 = vector.load %arg3[%get3A_35, %get3A_36, %get3A_37] : memref<3x512x512xf32, #tpu.memory_space<vmem>>, vector<1x512x512xf32>
    %get3A_39 = vector.shape_cast %get3A_38 : vector<1x512x512xf32> to vector<512x512xf32>
    %dot_general3A = arith.constant dense<0.000000e+00> : vector<256x512xf32>
    %dot_general3A_40 = tpu.matmul %concatenate3A, %get3A_39, %dot_general3A {dimension_numbers = #tpu.dot_dimension_numbers<[1], [0], [0], [1], [0, 0, 1, 1], [], []>, transpose_lhs_hint = false} : vector<256x512xf32>, vector<512x512xf32>, vector<256x512xf32> -> vector<256x512xf32>
    %dot_general3A_41 = arith.constant dense<0.000000e+00> : vector<256x512xf32>
    %dot_general3A_42 = tpu.matmul %neg3A_34, %concatenate3A, %dot_general3A_41 {dimension_numbers = #tpu.dot_dimension_numbers<[1], [0], [0], [1], [0, 0, 1, 1], [], []>, precision = #tpu.contract_precision<fp32>, transpose_lhs_hint = false} : vector<256x256xf32>, vector<256x512xf32>, vector<256x512xf32> -> vector<256x512xf32>
    %get3A_43 = arith.constant 1 : index
    %get3A_44 = arith.constant 0 : index
    %get3A_45 = arith.constant 0 : index
    %get3A_46 = vector.load %arg3[%get3A_43, %get3A_44, %get3A_45] : memref<3x512x512xf32, #tpu.memory_space<vmem>>, vector<1x512x512xf32>
    %get3A_47 = vector.shape_cast %get3A_46 : vector<1x512x512xf32> to vector<512x512xf32>
    %dot_general3A_48 = arith.constant dense<0.000000e+00> : vector<256x512xf32>
    %dot_general3A_49 = tpu.matmul %dot_general3A_42, %get3A_47, %dot_general3A_48 {dimension_numbers = #tpu.dot_dimension_numbers<[1], [0], [0], [1], [0, 0, 1, 1], [], []>, transpose_lhs_hint = false} : vector<256x512xf32>, vector<512x512xf32>, vector<256x512xf32> -> vector<256x512xf32>
    %add3A = arith.addf %dot_general3A_40, %dot_general3A_49 : vector<256x512xf32>
    %dot_general3A_50 = arith.constant dense<0.000000e+00> : vector<256x512xf32>
    %dot_general3A_51 = tpu.matmul %neg3A_34, %dot_general3A_42, %dot_general3A_50 {dimension_numbers = #tpu.dot_dimension_numbers<[1], [0], [0], [1], [0, 0, 1, 1], [], []>, precision = #tpu.contract_precision<fp32>, transpose_lhs_hint = false} : vector<256x256xf32>, vector<256x512xf32>, vector<256x512xf32> -> vector<256x512xf32>
    %mul3A_52 = arith.constant 2.000000e+00 : f32
    %mul3A_53 = vector.broadcast %mul3A_52 : f32 to vector<256x512xf32>
    %mul3A_54 = arith.mulf %mul3A_53, %dot_general3A_51 : vector<256x512xf32>
    %sub3A = arith.subf %mul3A_54, %concatenate3A : vector<256x512xf32>
    %get3A_55 = arith.constant 2 : index
    %get3A_56 = arith.constant 0 : index
    %get3A_57 = arith.constant 0 : index
    %get3A_58 = vector.load %arg3[%get3A_55, %get3A_56, %get3A_57] : memref<3x512x512xf32, #tpu.memory_space<vmem>>, vector<1x512x512xf32>
    %get3A_59 = vector.shape_cast %get3A_58 : vector<1x512x512xf32> to vector<512x512xf32>
    %dot_general3A_60 = arith.constant dense<0.000000e+00> : vector<256x512xf32>
    %dot_general3A_61 = tpu.matmul %sub3A, %get3A_59, %dot_general3A_60 {dimension_numbers = #tpu.dot_dimension_numbers<[1], [0], [0], [1], [0, 0, 1, 1], [], []>, transpose_lhs_hint = false} : vector<256x512xf32>, vector<512x512xf32>, vector<256x512xf32> -> vector<256x512xf32>
    %add3A_62 = arith.addf %add3A, %dot_general3A_61 : vector<256x512xf32>
    %broadcast_in_dim3A_63 = vector.shape_cast %get3A_8 : vector<512xf32> to vector<1x512xf32>
    %add3A_64 = vector.broadcast %broadcast_in_dim3A_63 : vector<1x512xf32> to vector<256x512xf32>
    %add3A_65 = arith.addf %add3A_62, %add3A_64 : vector<256x512xf32>
    %max3A = arith.constant 0.000000e+00 : f32
    %max3A_66 = vector.broadcast %max3A : f32 to vector<256x512xf32>
    %max3A_67 = arith.maximumf %add3A_65, %max3A_66 : vector<256x512xf32>
    %get3A_68 = arith.constant 0 : index
    %get3A_69 = arith.constant 0 : index
    %get3A_70 = arith.constant 0 : index
    %get3A_71 = vector.load %arg5[%get3A_68, %get3A_69, %get3A_70] : memref<3x512x256xf32, #tpu.memory_space<vmem>>, vector<1x512x256xf32>
    %get3A_72 = vector.shape_cast %get3A_71 : vector<1x512x256xf32> to vector<512x256xf32>
    %dot_general3A_73 = arith.constant dense<0.000000e+00> : vector<256x256xf32>
    %dot_general3A_74 = tpu.matmul %max3A_67, %get3A_72, %dot_general3A_73 {dimension_numbers = #tpu.dot_dimension_numbers<[1], [0], [0], [1], [0, 0, 1, 1], [], []>, transpose_lhs_hint = false} : vector<256x512xf32>, vector<512x256xf32>, vector<256x256xf32> -> vector<256x256xf32>
    %dot_general3A_75 = arith.constant dense<0.000000e+00> : vector<256x512xf32>
    %dot_general3A_76 = tpu.matmul %neg3A_34, %max3A_67, %dot_general3A_75 {dimension_numbers = #tpu.dot_dimension_numbers<[1], [0], [0], [1], [0, 0, 1, 1], [], []>, precision = #tpu.contract_precision<fp32>, transpose_lhs_hint = false} : vector<256x256xf32>, vector<256x512xf32>, vector<256x512xf32> -> vector<256x512xf32>
    %get3A_77 = arith.constant 1 : index
    %get3A_78 = arith.constant 0 : index
    %get3A_79 = arith.constant 0 : index
    %get3A_80 = vector.load %arg5[%get3A_77, %get3A_78, %get3A_79] : memref<3x512x256xf32, #tpu.memory_space<vmem>>, vector<1x512x256xf32>
    %get3A_81 = vector.shape_cast %get3A_80 : vector<1x512x256xf32> to vector<512x256xf32>
    %dot_general3A_82 = arith.constant dense<0.000000e+00> : vector<256x256xf32>
    %dot_general3A_83 = tpu.matmul %dot_general3A_76, %get3A_81, %dot_general3A_82 {dimension_numbers = #tpu.dot_dimension_numbers<[1], [0], [0], [1], [0, 0, 1, 1], [], []>, transpose_lhs_hint = false} : vector<256x512xf32>, vector<512x256xf32>, vector<256x256xf32> -> vector<256x256xf32>
    %add3A_84 = arith.addf %dot_general3A_74, %dot_general3A_83 : vector<256x256xf32>
    %dot_general3A_85 = arith.constant dense<0.000000e+00> : vector<256x512xf32>
    %dot_general3A_86 = tpu.matmul %neg3A_34, %dot_general3A_76, %dot_general3A_85 {dimension_numbers = #tpu.dot_dimension_numbers<[1], [0], [0], [1], [0, 0, 1, 1], [], []>, precision = #tpu.contract_precision<fp32>, transpose_lhs_hint = false} : vector<256x256xf32>, vector<256x512xf32>, vector<256x512xf32> -> vector<256x512xf32>
    %mul3A_87 = arith.constant 2.000000e+00 : f32
    %mul3A_88 = vector.broadcast %mul3A_87 : f32 to vector<256x512xf32>
    %mul3A_89 = arith.mulf %mul3A_88, %dot_general3A_86 : vector<256x512xf32>
    %sub3A_90 = arith.subf %mul3A_89, %max3A_67 : vector<256x512xf32>
    %get3A_91 = arith.constant 2 : index
    %get3A_92 = arith.constant 0 : index
    %get3A_93 = arith.constant 0 : index
    %get3A_94 = vector.load %arg5[%get3A_91, %get3A_92, %get3A_93] : memref<3x512x256xf32, #tpu.memory_space<vmem>>, vector<1x512x256xf32>
    %get3A_95 = vector.shape_cast %get3A_94 : vector<1x512x256xf32> to vector<512x256xf32>
    %dot_general3A_96 = arith.constant dense<0.000000e+00> : vector<256x256xf32>
    %dot_general3A_97 = tpu.matmul %sub3A_90, %get3A_95, %dot_general3A_96 {dimension_numbers = #tpu.dot_dimension_numbers<[1], [0], [0], [1], [0, 0, 1, 1], [], []>, transpose_lhs_hint = false} : vector<256x512xf32>, vector<512x256xf32>, vector<256x256xf32> -> vector<256x256xf32>
    %add3A_98 = arith.addf %add3A_84, %dot_general3A_97 : vector<256x256xf32>
    %broadcast_in_dim3A_99 = vector.shape_cast %get3A_10 : vector<256xf32> to vector<1x256xf32>
    %add3A_100 = vector.broadcast %broadcast_in_dim3A_99 : vector<1x256xf32> to vector<256x256xf32>
    %add3A_101 = arith.addf %add3A_98, %add3A_100 : vector<256x256xf32>
    %max3A_102 = arith.constant 0.000000e+00 : f32
    %max3A_103 = vector.broadcast %max3A_102 : f32 to vector<256x256xf32>
    %max3A_104 = arith.maximumf %add3A_101, %max3A_103 : vector<256x256xf32>
    %get3A_105 = arith.constant 1 : index
    %get3A_106 = arith.constant 0 : index
    %get3A_107 = arith.constant 0 : index
    %get3A_108 = vector.load %arg0[%get3A_105, %get3A_106, %get3A_107] : memref<2x256x256xf32, #tpu.memory_space<vmem>>, vector<1x256x256xf32>
    %get3A_109 = vector.shape_cast %get3A_108 : vector<1x256x256xf32> to vector<256x256xf32>
    %reduce_sum3A_110 = arith.constant dense<0.000000e+00> : vector<256xf32>
    %reduce_sum3A_111 = vector.multi_reduction <add>, %get3A_109, %reduce_sum3A_110 [0] : vector<256x256xf32> to vector<256xf32>
    %gt3A_112 = arith.constant 0.000000e+00 : f32
    %gt3A_113 = vector.broadcast %gt3A_112 : f32 to vector<256xf32>
    %gt3A_114 = arith.cmpf ogt, %reduce_sum3A_111, %gt3A_113 : vector<256xf32>
    %jit3A_115 = arith.constant 1.000000e+00 : f32
    %broadcast_in_dim3A_116 = vector.broadcast %jit3A_115 : f32 to vector<256xf32>
    %select_n3A_117 = arith.select %gt3A_114, %reduce_sum3A_111, %broadcast_in_dim3A_116 : vector<256xi1>, vector<256xf32>
    %gt3A_118 = arith.constant 0.000000e+00 : f32
    %gt3A_119 = vector.broadcast %gt3A_118 : f32 to vector<256xf32>
    %gt3A_120 = arith.cmpf ogt, %reduce_sum3A_111, %gt3A_119 : vector<256xf32>
    %sqrt3A_121 = math.sqrt %select_n3A_117 : vector<256xf32>
    %div3A_122 = arith.constant 1.000000e+00 : f32
    %div3A_123 = vector.broadcast %div3A_122 : f32 to vector<256xf32>
    %div3A_124 = arith.divf %div3A_123, %sqrt3A_121 : vector<256xf32>
    %jit3A_125 = arith.constant 0.000000e+00 : f32
    %broadcast_in_dim3A_126 = vector.broadcast %jit3A_125 : f32 to vector<256xf32>
    %select_n3A_127 = arith.select %gt3A_120, %div3A_124, %broadcast_in_dim3A_126 : vector<256xi1>, vector<256xf32>
    %broadcast_in_dim3A_128 = vector.shape_cast %select_n3A_127 : vector<256xf32> to vector<256x1xf32>
    %mul3A_129 = vector.broadcast %broadcast_in_dim3A_128 : vector<256x1xf32> to vector<256x256xf32>
    %mul3A_130 = arith.mulf %mul3A_129, %get3A_109 : vector<256x256xf32>
    %broadcast_in_dim3A_131 = vector.shape_cast %select_n3A_127 : vector<256xf32> to vector<1x256xf32>
    %mul3A_132 = vector.broadcast %broadcast_in_dim3A_131 : vector<1x256xf32> to vector<256x256xf32>
    %mul3A_133 = arith.mulf %mul3A_130, %mul3A_132 : vector<256x256xf32>
    %neg3A_134 = arith.constant 0.000000e+00 : f32
    %neg3A_135 = vector.broadcast %neg3A_134 : f32 to vector<256x256xf32>
    %neg3A_136 = arith.subf %neg3A_135, %mul3A_133 : vector<256x256xf32>
    %get3A_137 = arith.constant 0 : index
    %get3A_138 = arith.constant 0 : index
    %get3A_139 = arith.constant 0 : index
    %get3A_140 = vector.load %arg3[%get3A_137, %get3A_138, %get3A_139] : memref<3x512x512xf32, #tpu.memory_space<vmem>>, vector<1x512x512xf32>
    %get3A_141 = vector.shape_cast %get3A_140 : vector<1x512x512xf32> to vector<512x512xf32>
    %dot_general3A_142 = arith.constant dense<0.000000e+00> : vector<256x512xf32>
    %dot_general3A_143 = tpu.matmul %concatenate3A_6, %get3A_141, %dot_general3A_142 {dimension_numbers = #tpu.dot_dimension_numbers<[1], [0], [0], [1], [0, 0, 1, 1], [], []>, transpose_lhs_hint = false} : vector<256x512xf32>, vector<512x512xf32>, vector<256x512xf32> -> vector<256x512xf32>
    %dot_general3A_144 = arith.constant dense<0.000000e+00> : vector<256x512xf32>
    %dot_general3A_145 = tpu.matmul %neg3A_136, %concatenate3A_6, %dot_general3A_144 {dimension_numbers = #tpu.dot_dimension_numbers<[1], [0], [0], [1], [0, 0, 1, 1], [], []>, precision = #tpu.contract_precision<fp32>, transpose_lhs_hint = false} : vector<256x256xf32>, vector<256x512xf32>, vector<256x512xf32> -> vector<256x512xf32>
    %get3A_146 = arith.constant 1 : index
    %get3A_147 = arith.constant 0 : index
    %get3A_148 = arith.constant 0 : index
    %get3A_149 = vector.load %arg3[%get3A_146, %get3A_147, %get3A_148] : memref<3x512x512xf32, #tpu.memory_space<vmem>>, vector<1x512x512xf32>
    %get3A_150 = vector.shape_cast %get3A_149 : vector<1x512x512xf32> to vector<512x512xf32>
    %dot_general3A_151 = arith.constant dense<0.000000e+00> : vector<256x512xf32>
    %dot_general3A_152 = tpu.matmul %dot_general3A_145, %get3A_150, %dot_general3A_151 {dimension_numbers = #tpu.dot_dimension_numbers<[1], [0], [0], [1], [0, 0, 1, 1], [], []>, transpose_lhs_hint = false} : vector<256x512xf32>, vector<512x512xf32>, vector<256x512xf32> -> vector<256x512xf32>
    %add3A_153 = arith.addf %dot_general3A_143, %dot_general3A_152 : vector<256x512xf32>
    %dot_general3A_154 = arith.constant dense<0.000000e+00> : vector<256x512xf32>
    %dot_general3A_155 = tpu.matmul %neg3A_136, %dot_general3A_145, %dot_general3A_154 {dimension_numbers = #tpu.dot_dimension_numbers<[1], [0], [0], [1], [0, 0, 1, 1], [], []>, precision = #tpu.contract_precision<fp32>, transpose_lhs_hint = false} : vector<256x256xf32>, vector<256x512xf32>, vector<256x512xf32> -> vector<256x512xf32>
    %mul3A_156 = arith.constant 2.000000e+00 : f32
    %mul3A_157 = vector.broadcast %mul3A_156 : f32 to vector<256x512xf32>
    %mul3A_158 = arith.mulf %mul3A_157, %dot_general3A_155 : vector<256x512xf32>
    %sub3A_159 = arith.subf %mul3A_158, %concatenate3A_6 : vector<256x512xf32>
    %get3A_160 = arith.constant 2 : index
    %get3A_161 = arith.constant 0 : index
    %get3A_162 = arith.constant 0 : index
    %get3A_163 = vector.load %arg3[%get3A_160, %get3A_161, %get3A_162] : memref<3x512x512xf32, #tpu.memory_space<vmem>>, vector<1x512x512xf32>
    %get3A_164 = vector.shape_cast %get3A_163 : vector<1x512x512xf32> to vector<512x512xf32>
    %dot_general3A_165 = arith.constant dense<0.000000e+00> : vector<256x512xf32>
    %dot_general3A_166 = tpu.matmul %sub3A_159, %get3A_164, %dot_general3A_165 {dimension_numbers = #tpu.dot_dimension_numbers<[1], [0], [0], [1], [0, 0, 1, 1], [], []>, transpose_lhs_hint = false} : vector<256x512xf32>, vector<512x512xf32>, vector<256x512xf32> -> vector<256x512xf32>
    %add3A_167 = arith.addf %add3A_153, %dot_general3A_166 : vector<256x512xf32>
    %broadcast_in_dim3A_168 = vector.shape_cast %get3A_8 : vector<512xf32> to vector<1x512xf32>
    %add3A_169 = vector.broadcast %broadcast_in_dim3A_168 : vector<1x512xf32> to vector<256x512xf32>
    %add3A_170 = arith.addf %add3A_167, %add3A_169 : vector<256x512xf32>
    %max3A_171 = arith.constant 0.000000e+00 : f32
    %max3A_172 = vector.broadcast %max3A_171 : f32 to vector<256x512xf32>
    %max3A_173 = arith.maximumf %add3A_170, %max3A_172 : vector<256x512xf32>
    %get3A_174 = arith.constant 0 : index
    %get3A_175 = arith.constant 0 : index
    %get3A_176 = arith.constant 0 : index
    %get3A_177 = vector.load %arg5[%get3A_174, %get3A_175, %get3A_176] : memref<3x512x256xf32, #tpu.memory_space<vmem>>, vector<1x512x256xf32>
    %get3A_178 = vector.shape_cast %get3A_177 : vector<1x512x256xf32> to vector<512x256xf32>
    %dot_general3A_179 = arith.constant dense<0.000000e+00> : vector<256x256xf32>
    %dot_general3A_180 = tpu.matmul %max3A_173, %get3A_178, %dot_general3A_179 {dimension_numbers = #tpu.dot_dimension_numbers<[1], [0], [0], [1], [0, 0, 1, 1], [], []>, transpose_lhs_hint = false} : vector<256x512xf32>, vector<512x256xf32>, vector<256x256xf32> -> vector<256x256xf32>
    %dot_general3A_181 = arith.constant dense<0.000000e+00> : vector<256x512xf32>
    %dot_general3A_182 = tpu.matmul %neg3A_136, %max3A_173, %dot_general3A_181 {dimension_numbers = #tpu.dot_dimension_numbers<[1], [0], [0], [1], [0, 0, 1, 1], [], []>, precision = #tpu.contract_precision<fp32>, transpose_lhs_hint = false} : vector<256x256xf32>, vector<256x512xf32>, vector<256x512xf32> -> vector<256x512xf32>
    %get3A_183 = arith.constant 1 : index
    %get3A_184 = arith.constant 0 : index
    %get3A_185 = arith.constant 0 : index
    %get3A_186 = vector.load %arg5[%get3A_183, %get3A_184, %get3A_185] : memref<3x512x256xf32, #tpu.memory_space<vmem>>, vector<1x512x256xf32>
    %get3A_187 = vector.shape_cast %get3A_186 : vector<1x512x256xf32> to vector<512x256xf32>
    %dot_general3A_188 = arith.constant dense<0.000000e+00> : vector<256x256xf32>
    %dot_general3A_189 = tpu.matmul %dot_general3A_182, %get3A_187, %dot_general3A_188 {dimension_numbers = #tpu.dot_dimension_numbers<[1], [0], [0], [1], [0, 0, 1, 1], [], []>, transpose_lhs_hint = false} : vector<256x512xf32>, vector<512x256xf32>, vector<256x256xf32> -> vector<256x256xf32>
    %add3A_190 = arith.addf %dot_general3A_180, %dot_general3A_189 : vector<256x256xf32>
    %dot_general3A_191 = arith.constant dense<0.000000e+00> : vector<256x512xf32>
    %dot_general3A_192 = tpu.matmul %neg3A_136, %dot_general3A_182, %dot_general3A_191 {dimension_numbers = #tpu.dot_dimension_numbers<[1], [0], [0], [1], [0, 0, 1, 1], [], []>, precision = #tpu.contract_precision<fp32>, transpose_lhs_hint = false} : vector<256x256xf32>, vector<256x512xf32>, vector<256x512xf32> -> vector<256x512xf32>
    %mul3A_193 = arith.constant 2.000000e+00 : f32
    %mul3A_194 = vector.broadcast %mul3A_193 : f32 to vector<256x512xf32>
    %mul3A_195 = arith.mulf %mul3A_194, %dot_general3A_192 : vector<256x512xf32>
    %sub3A_196 = arith.subf %mul3A_195, %max3A_173 : vector<256x512xf32>
    %get3A_197 = arith.constant 2 : index
    %get3A_198 = arith.constant 0 : index
    %get3A_199 = arith.constant 0 : index
    %get3A_200 = vector.load %arg5[%get3A_197, %get3A_198, %get3A_199] : memref<3x512x256xf32, #tpu.memory_space<vmem>>, vector<1x512x256xf32>
    %get3A_201 = vector.shape_cast %get3A_200 : vector<1x512x256xf32> to vector<512x256xf32>
    %dot_general3A_202 = arith.constant dense<0.000000e+00> : vector<256x256xf32>
    %dot_general3A_203 = tpu.matmul %sub3A_196, %get3A_201, %dot_general3A_202 {dimension_numbers = #tpu.dot_dimension_numbers<[1], [0], [0], [1], [0, 0, 1, 1], [], []>, transpose_lhs_hint = false} : vector<256x512xf32>, vector<512x256xf32>, vector<256x256xf32> -> vector<256x256xf32>
    %add3A_204 = arith.addf %add3A_190, %dot_general3A_203 : vector<256x256xf32>
    %broadcast_in_dim3A_205 = vector.shape_cast %get3A_10 : vector<256xf32> to vector<1x256xf32>
    %add3A_206 = vector.broadcast %broadcast_in_dim3A_205 : vector<1x256xf32> to vector<256x256xf32>
    %add3A_207 = arith.addf %add3A_204, %add3A_206 : vector<256x256xf32>
    %max3A_208 = arith.constant 0.000000e+00 : f32
    %max3A_209 = vector.broadcast %max3A_208 : f32 to vector<256x256xf32>
    %max3A_210 = arith.maximumf %add3A_207, %max3A_209 : vector<256x256xf32>
    %mul3A_211 = arith.mulf %max3A_104, %max3A_210 : vector<256x256xf32>
    %get3A_212 = arith.constant 0 : index
    %get3A_213 = arith.constant 0 : index
    %get3A_214 = vector.load %arg7[%get3A_212, %get3A_213] : memref<200x100xf32, #tpu.memory_space<vmem>>, vector<200x100xf32>
    %jit3A_215 = arith.constant 0 : i32
    %convert_element_type3A = arith.sitofp %jit3A_215 : i32 to f32
    %pad3A = vector.broadcast %convert_element_type3A : f32 to vector<56x100xf32>
    %pad3A_216 = tpu.concatenate %get3A_214, %pad3A in 0 : vector<200x100xf32>, vector<56x100xf32> -> vector<256x100xf32>
    %pad3A_217 = vector.broadcast %convert_element_type3A : f32 to vector<256x28xf32>
    %pad3A_218 = tpu.concatenate %pad3A_216, %pad3A_217 in 1 : vector<256x100xf32>, vector<256x28xf32> -> vector<256x128xf32>
    %get3A_219 = arith.constant 0 : index
    %get3A_220 = vector.load %arg8[%get3A_219] : memref<100xf32, #tpu.memory_space<vmem>>, vector<100xf32>
    %jit3A_221 = arith.constant 0 : i32
    %convert_element_type3A_222 = arith.sitofp %jit3A_221 : i32 to f32
    %pad3A_223 = vector.broadcast %convert_element_type3A_222 : f32 to vector<28xf32>
    %pad3A_224 = tpu.concatenate %get3A_220, %pad3A_223 in 0 : vector<100xf32>, vector<28xf32> -> vector<128xf32>
    %get3A_225 = arith.constant 0 : index
    %get3A_226 = arith.constant 0 : index
    %get3A_227 = vector.load %arg9[%get3A_225, %get3A_226] : memref<100x1xf32, #tpu.memory_space<vmem>>, vector<100x1xf32>
    %jit3A_228 = arith.constant 0 : i32
    %convert_element_type3A_229 = arith.sitofp %jit3A_228 : i32 to f32
    %pad3A_230 = vector.broadcast %convert_element_type3A_229 : f32 to vector<28x1xf32>
    %pad3A_231 = tpu.concatenate %get3A_227, %pad3A_230 in 0 : vector<100x1xf32>, vector<28x1xf32> -> vector<128x1xf32>
    %dot_general3A_232 = arith.constant dense<0.000000e+00> : vector<256x128xf32>
    %dot_general3A_233 = tpu.matmul %mul3A_211, %pad3A_218, %dot_general3A_232 {dimension_numbers = #tpu.dot_dimension_numbers<[0], [0], [1], [1], [0, 1, 1, 1], [], []>, transpose_lhs_hint = false} : vector<256x256xf32>, vector<256x128xf32>, vector<256x128xf32> -> vector<256x128xf32>
    %broadcast_in_dim3A_234 = vector.shape_cast %pad3A_224 : vector<128xf32> to vector<1x128xf32>
    %add3A_235 = vector.broadcast %broadcast_in_dim3A_234 : vector<1x128xf32> to vector<256x128xf32>
    %add3A_236 = arith.addf %dot_general3A_233, %add3A_235 : vector<256x128xf32>
    %max3A_237 = arith.constant 0.000000e+00 : f32
    %max3A_238 = vector.broadcast %max3A_237 : f32 to vector<256x128xf32>
    %max3A_239 = arith.maximumf %add3A_236, %max3A_238 : vector<256x128xf32>
    %dot_general3A_240 = arith.constant dense<0.000000e+00> : vector<256x1xf32>
    %dot_general3A_241 = tpu.matmul %max3A_239, %pad3A_231, %dot_general3A_240 {dimension_numbers = #tpu.dot_dimension_numbers<[1], [0], [0], [1], [0, 0, 1, 1], [], []>, transpose_lhs_hint = false} : vector<256x128xf32>, vector<128x1xf32>, vector<256x1xf32> -> vector<256x1xf32>
    %get3A_242 = arith.constant 0 : index
    %get3A_243 = vector.load %arg10[%get3A_242] : memref<1xf32, #tpu.memory_space<vmem>>, vector<1xf32>
    %broadcast_in_dim3A_244 = vector.shape_cast %get3A_243 : vector<1xf32> to vector<1x1xf32>
    %add3A_245 = vector.broadcast %broadcast_in_dim3A_244 : vector<1x1xf32> to vector<256x1xf32>
    %add3A_246 = arith.addf %dot_general3A_241, %add3A_245 : vector<256x1xf32>
    %swap3A = arith.constant 0 : index
    %swap3A_247 = arith.constant 0 : index
    %swap3A_248 = vector.load %arg11[%swap3A, %swap3A_247] : memref<256x1xf32, #tpu.memory_space<vmem>>, vector<256x1xf32>
    tpu.vector_store %arg11[%swap3A, %swap3A_247], %add3A_246 {strides = array<i32>} : memref<256x1xf32, #tpu.memory_space<vmem>>, vector<256x1xf32>,
    return
  }
}

</mosaic_0001>

<sc_bundles>
// kernel: kernel.4.cloned.1.call-start
scs
__scs_entry_jumppad:
0x0: {  	(pc) =	sbr.rel $0x88, $3  }
0x1: {  	(tag) =	ssettag $0x0;
	lr =	simm.s32 $0x1  }
0x2: {  	[smem:$0x3F93] =	sst lr;
	_ =	strace $0xD0000000  }
0x3: {  	_ = 	snop  }
0x4: {  	_ = 	snop  }
0x5: {  	_ = 	snop  }
0x6: {  	_ = 	snop  }
0x7: {  	_ = 	snop  }
__scs_overlays_trampoline_lowered:
0x8: {  	[smem:$0x3FA2] =	sst s0  }
0x9: {  	[smem:$0x3FA3] =	sst s1  }
0xa: {  	[smem:$0x3FA4] =	sst s2  }
0xb: {  	[smem:$0x3FA5] =	sst s3  }
0xc: {  	[smem:$0x3FA6] =	sst s4  }
0xd: {  	[smem:$0x3FA7] =	sst s5  }
0xe: {  	[smem:$0x3FA8] =	sst s6  }
0xf: {  	[smem:$0x3FA9] =	sst s7  }
0x10: {  	[smem:$0x3FAA] =	sst s8  }
0x11: {  	[smem:$0x3FAB] =	sst s9;
	s0 =	simm.s32 @!p0 $0x0  }
0x12: {  	s1 =	sld [smem:$0x3F91];
	s0 =	simm.s32 @p0 $0x1  }
0x13: {  	[smem:$0x3FAC] =	sst s0;
	s0 =	simm.s32 @!p1 $0x0  }
0x14: {  	s2 =	sld [smem:$0x3F90];
	s0 =	simm.s32 @p1 $0x1  }
0x15: {  	[smem:$0x3FAD] =	sst s0;
	s0 =	simm.s32 @!p2 $0x0  }
0x16: {  	s3 =	sld [smem:$0x3FDB];
	s0 =	simm.s32 @p2 $0x1  }
0x17: {  	s4 =	simm.s32 $0x1BF5;
	[smem:$0x3FAF] =	sst s0  }
0x18: {  	s0 =	sld [smem:$0x3F92];
	_ =	swait.ge [sflag:s4], $0x0  }
0x19: {  	s7 =	sld [smem:$0x3F93]  }
0x1a: {  	s8 =	sadd.s32 $0xFFFFE003, lr  }
0x1b: {  	s9 =	sadd.s32 $0xFFFFFEF7, lr;
	s5 =	simm.s32 $0xFFFFFFFF;
	p2 =	slt.u32 s8, $0xFFFFF086  }
0x1c: {  	p1 =	slt.u32 s9, $0xF7A;
	s5 =	simm.s32 @!p2 $0x0  }
0x1d: {  	s5 =	simm.s32 @p1 $0x1;
	p0 =	seq.s32 s7, s2  }
0x1e: {  	s7 =	smul.u32 @!p0 $0xF7A, s2;
	p2 =	seq.s32 @!p0 s5, $0x0  }
0x1f: {  	s9 =	smul.u32 $0xF7A, s1;
	s8 =	simm.s32 @!p0 $0x1BF5;
	p2 =	por !p2, p0  }
0x20: {  	[sflag:s8] =	ssyncset.s32 @!p0 $0xFFFFF086;
	s6 =	sadd.s32 @!p0 s3, s7;
	s7 =	simm.s32 @!p0 $0x108  }
0x21: {  	s3 =	sadd.s32 s3, s9;
	s6 =	sadd.s32 @!p0 $0x88, s6;
	s7 =	simm.s32 @p2 $0x1082  }
0x22: {  	[simem:s7], [sflag:s8] =	dma.local @!p0 [hbm:s6], $0xF7A  }
0x23: {  	s9 =	sor.u32 $0xD0000000, s2;
	s6 =	simm.s32 $0x108;
	_ =	swait.ge @!p0 [sflag:s8], $0x0  }
0x24: {  	s3 =	sadd.s32 $0x88, s3;
	s6 =	simm.s32 @!p1 $0x1082;
	[sflag:s4] =	ssyncset.s32 $0xFFFFF086  }
0x25: {  	[simem:s6], [sflag:s4] =	dma.local [hbm:s3], $0xF7A  }
0x26: {  	[smem:$0x3F93] =	sst s1;
	(tag) =	ssettag s2;
	_ =	strace s9  }
0x27: {  	s1 =	sld [smem:$0x3FA3]  }
0x28: {  	s2 =	sld [smem:$0x3FA4]  }
0x29: {  	s4 =	sld [smem:$0x3FA6]  }
0x2a: {  	p0 =	seq.s32 s5, $0x0;
	s5 =	sld [smem:$0x3FA7]  }
0x2b: {  	s6 =	sld [smem:$0x3FA8]  }
0x2c: {  	s7 =	sld [smem:$0x3FA9]  }
0x2d: {  	s3 =	simm.s32 $0x108;
	s8 =	sld [smem:$0x3FAA]  }
0x2e: {  	s3 =	simm.s32 @!p0 $0x1082;
	s9 =	sld [smem:$0x3FAB]  }
0x2f: {  	lr =	sadd.s32 s0, s3;
	s0 =	sld [smem:$0x3FA2]  }
0x30: {  	s3 =	sld [smem:$0x3FA5]  }
0x31: {  	[smem:$0x3FAE] =	sst s10  }
0x32: {  	s10 =	sld [smem:$0x3FAC];
	_ =	sdelay $0x3  }
0x33: {  	p0 =	seq.s32 s10, $0x1;
	s10 =	sld [smem:$0x3FAE];
	_ =	sdelay $0x3  }
0x34: {  	[smem:$0x3FAE] =	sst s10  }
0x35: {  	s10 =	sld [smem:$0x3FAD];
	_ =	sdelay $0x3  }
0x36: {  	p1 =	seq.s32 s10, $0x1;
	s10 =	sld [smem:$0x3FAE];
	_ =	sdelay $0x3  }
0x37: {  	[smem:$0x3FAE] =	sst s10  }
0x38: {  	s10 =	sld [smem:$0x3FAF]  }
0x39: {  	_ = 	snop;
	(pc) =	sbr.ind lr, $3  }
0x3a: {  	_ = 	snop  }
0x3b: {  	_ = 	snop  }
0x3c: {  	p2 =	seq.s32 s10, $0x1;
	s10 =	sld [smem:$0x3FAE]  }
0x3d: {  	_ =	shalt  }
0x3e: {  	_ =	shalt  }
0x3f: {  	_ =	shalt  }
0x40: {  	_ =	shalt  }
0x41: {  	_ =	shalt  }
0x42: {  	_ =	shalt  }
0x43: {  	_ =	shalt  }
0x44: {  	_ =	shalt  }
0x45: {  	_ =	shalt  }
0x46: {  	_ =	shalt  }
0x47: {  	_ =	shalt  }
0x48: {  	_ =	shalt  }
0x49: {  	_ =	shalt  }
0x4a: {  	_ =	shalt  }
0x4b: {  	_ =	shalt  }
0x4c: {  	_ =	shalt  }
0x4d: {  	_ =	shalt  }
0x4e: {  	_ =	shalt  }
0x4f: {  	_ =	shalt  }
0x50: {  	_ =	shalt  }
0x51: {  	_ =	shalt  }
0x52: {  	_ =	shalt  }
0x53: {  	_ =	shalt  }
0x54: {  	_ =	shalt  }
0x55: {  	_ =	shalt  }
0x56: {  	_ =	shalt  }
0x57: {  	_ =	shalt  }
0x58: {  	_ =	shalt  }
0x59: {  	_ =	shalt  }
0x5a: {  	_ =	shalt  }
0x5b: {  	_ =	shalt  }
0x5c: {  	_ =	shalt  }
0x5d: {  	_ =	shalt  }
0x5e: {  	_ =	shalt  }
0x5f: {  	_ =	shalt  }
0x60: {  	_ =	shalt  }
0x61: {  	_ =	shalt  }
0x62: {  	_ =	shalt  }
0x63: {  	_ =	shalt  }
0x64: {  	_ =	shalt  }
0x65: {  	_ =	shalt  }
0x66: {  	_ =	shalt  }
0x67: {  	_ =	shalt  }
0x68: {  	_ =	shalt  }
0x69: {  	_ =	shalt  }
0x6a: {  	_ =	shalt  }
0x6b: {  	_ =	shalt  }
0x6c: {  	_ =	shalt  }
0x6d: {  	_ =	shalt  }
0x6e: {  	_ =	shalt  }
0x6f: {  	_ =	shalt  }
0x70: {  	_ =	shalt  }
0x71: {  	_ =	shalt  }
0x72: {  	_ =	shalt  }
0x73: {  	_ =	shalt  }
0x74: {  	_ =	shalt  }
0x75: {  	_ =	shalt  }
0x76: {  	_ =	shalt  }
0x77: {  	_ =	shalt  }
0x78: {  	_ =	shalt  }
0x79: {  	_ =	shalt  }
0x7a: {  	_ =	shalt  }
0x7b: {  	_ =	shalt  }
0x7c: {  	_ =	shalt  }
0x7d: {  	_ =	shalt  }
0x7e: {  	_ =	shalt  }
0x7f: {  	_ =	shalt  }
0x80: {  	_ =	shalt  }
0x81: {  	_ =	shalt  }
0x82: {  	_ =	shalt  }
0x83: {  	_ =	shalt  }
0x84: {  	_ =	shalt  }
0x85: {  	_ =	shalt  }
0x86: {  	_ =	shalt  }
0x87: {  	_ =	shalt  }
.Lfunc_end0:
.L_simem_size_0:
called_computation_lowered:
.L_overlay_start_0:
0x88: {  	s2 =	sld [smem:$0x3FD9]  }
0x89: {  	s3 =	sld [smem:$0x3FFE];
	_ =	sdelay $0x1  }
0x8a: {  	s1 =	srdreg.scid  }
0x8b: {  	s0 =	sand.u32 $0x1, s1  }
0x8c: {  	s17 =	sshll.u32 s0, $0xA;
	s2 =	sadd.s32 s3, s2  }
0x8d: {  	s2 =	sadd.s32 s2, s17  }
0x8e: {  	[smem:$0x3FBA] =	sst s2  }
0x8f: {  	_ = 	snop  }
0x90: {  	s2 =	sld [smem:$0x3FC8]  }
0x91: {  	s18 =	sld [smem:$0x3FC7]  }
0x92: {  	s4 =	sld [smem:$0x3FC5]  }
0x93: {  	s5 =	sld [smem:$0x3FC4];
	(tm) =	ssettm $0x1  }
0x94: {  	s6 =	sld [smem:$0x3FFB];
	_ =	sdelay $0x3  }
0x95: {  	_ =	strace s6  }
0x96: {  	s6 =	sld [smem:$0x3FFC];
	_ =	sdelay $0x3  }
0x97: {  	_ =	strace s6  }
0x98: {  	s6 =	sld [smem:$0x3FFD];
	_ =	sdelay $0x3  }
0x99: {  	_ =	strace s6  }
0x9a: {  	_ =	strace $0x8FFFFFFF  }
0x9b: {  	s19 =	sld [smem:$0x3FDB];
	_ =	sdelay $0x1  }
0x9c: {  	s7 =	simm.s32 $_scs_section_size  }
0x9d: {  	s8 =	simm.s32 $_size__tile_overlayer_lowered;
	s9 =	simm.s32 $_tile_overlayer_lowered  }
0x9e: {  	s22 =	simm.s32 $0x1BFF;
	s21 =	sshll.u32 s9, $0x1;
	s6 =	sadd.s32 s7, s19  }
0x9f: {  	s10 =	simm.s32 $0x0;
	s20 =	sshll.u32 s8, $0x1;
	s8 =	sadd.s32 s21, s6  }
0xa0: {  	[timem:s10], [sflag:s22] =	dma.local [hbm:s8], s20  }
0xa1: {  	_ =	swait.ge [sflag:s22], s20  }
0xa2: {  	s7 =	ssub.s32 $0x0, s20;
	[sflag:s22] =	ssyncset.done $0x0  }
0xa3: {  	[sflag:s22] =	ssyncadd.s32 s7;
	_ =	sdelay $0x1  }
0xa4: {  	s23 =	simm.s32 $0x1B8B  }
0xa5: {  	_ =	swait.ge [sflag:s23], $0x1  }
0xa6: {  	[sflag:s23] =	ssyncset.done $0x0  }
0xa7: {  	s25 =	simm.s32 $0x1B8E;
	s24 =	sld [smem:$0x3FFE];
	[sflag:s23] =	ssyncadd.s32 $0xFFFFFFFF  }
0xa8: {  	s26 =	simm.s32 $execute0_lowered;
	[smem:$0x3FD2] =	sst s25  }
0xa9: {  	s8 =	sshll.u32 s26, $0x1;
	_ =	strace $0x80000046;
	[dreg:$0x1] =	wrdreg $0xFFFFFFFF  }
0xaa: {  	s28 =	simm.s32 $_size_execute0_lowered;
	s6 =	sadd.s32 s6, s8;
	[dreg:$0x0] =	wrdreg $0x0  }
0xab: {  	s8 =	sshll.u32 s28, $0x1;
	[dreg:$0x2] =	wrdreg s6  }
0xac: {  	[dreg:$0x3] =	wrdreg s8  }
0xad: {  	[dreg:$0x4] =	wrdreg $0xC0  }
0xae: {  	_ =	task [dreg:s10], $0x5FFFF  }
0xaf: {  	[dreg:$0x1] =	wrdreg $0xFFFFFFFF  }
0xb0: {  	[dreg:$0x0] =	wrdreg $0x60  }
0xb1: {  	[dreg:$0x2] =	wrdreg s2  }
0xb2: {  	[dreg:$0x3] =	wrdreg s18  }
0xb3: {  	[dreg:$0x4] =	wrdreg s4  }
0xb4: {  	[dreg:$0x5] =	wrdreg s5  }
0xb5: {  	[dreg:$0x6] =	wrdreg s24  }
0xb6: {  	[dreg:$0x7] =	wrdreg $0x9  }
0xb7: {  	_ =	task.clear_ibuf [dreg:s10], $0x8FFFF;
	_ =	strace $0x90000046  }
0xb8: {  	s29 =	simm.s32 $0x9;
	_ =	strace $0x80000048  }
0xb9: {  	_ =	swait.ge [sflag:s29], $0x1  }
0xba: {  	[sflag:s29] =	ssyncadd.s32 $0xFFFFFFFF  }
0xbb: {  	_ =	strace $0x90000048  }
0xbc: {  	_ =	sfence  }
0xbd: {  	s30 =	sld [smem:$0x0];
	_ =	sdelay $0x2  }
0xbe: {  	s31 =	sshll.u32 s1, $0xD;
	s1 =	sshrl.u32 s1, $0x2  }
0xbf: {  	s3 =	sand.u32 $0x4000, s31;
	s1 =	sadd.s32 s1, s30  }
0xc0: {  	s0 =	sor.u32 s3, s0;
	s1 =	sshll.u32 s1, $0x11  }
0xc1: {  	s0 =	sor.u32 s1, s0  }
0xc2: {  	s0 =	sadd.s32 $0x8F2B, s0  }
0xc3: {  	[sflag:s0] =	ssyncadd.remote.s32 $0x1  }
0xc4: {  	_ =	sfence.sel $0xFFFF  }
0xc5: {  	[dreg:$0x0] =	wrdreg $0xFFFFFFFF;
	(pc) =	sbr.abs _section_cstart, $3  }
0xc6: {  	[dreg:$0x1] =	wrdreg $0xFFFFFFFF  }
0xc7: {  	_ =	task.clear_ibuf [dreg:s10], $0x2FFFF;
	_ =	strace $0x9FFFFFFF  }
0xc8: {  	(tm) =	ssettm $0x7FFFFFFF  }
0xc9: {  	_ =	shalt  }
tec
execute0_lowered:
.L_overlay_start_1:
0x0: {  	(tag) =	ssettag $0x1  }
0x1: {  	s1 =	rddreg [dreg:$0x0]  }
0x2: {  	s2 =	rddreg [dreg:$0x1]  }
0x3: {  	s3 =	rddreg [dreg:$0x2]  }
0x4: {  	s4 =	rddreg [dreg:$0x3]  }
0x5: {  	s7 =	rddreg [dreg:$0x4]  }
0x6: {  	s0 =	rddreg [dreg:$0x5];
	s8 =	srdreg.scid;
	s6 =	simm.s32 $0x0  }
0x7: {  	s5 =	stileid.u32;
	s13 =	simm.s32 $0x100;
	s14 =	simm.s32 $0x1  }
0x8: {  	s15 =	simm.s32 $0x3200;
	s17 =	simm.s32 $0x9600;
	s18 =	simm.s32 $0x0  }
0x9: {  	s8 =	sand.u32 $0x1, s8;
	[smem:$0x7FF] =	sst s6;
	s9 =	sshll.u32 s5, $0x9  }
.Ltmp0:
0xa: {  	s16 =	sshll.u32 s5, $0x4;
	s10 =	ssub.s32 $0x2, s8;
	(pc) =	sbr.rel .LBB2_1-.Ltmp0, $4  }
0xb: {  	_ =	strace $0x80000047;
	s11 =	sadd.s32 s9, s7;
	p0 =	seq.s32 s8, $0x1  }
0xc: {  	s7 =	sadd.s32 $0x10, s1;
	s9 =	sadd.s32 $0x10, s3;
	s31 =	sshrl.u32 s10, $0x1  }
0xd: {  	v0 =	vmov s16;
	s16 =	simm.s32 $0x6400;
	s8 =	sadd.s32 $0x1600, s11;
	s12 =	ssub.s32 s10, s31  }
0xe: {  	v1 =	vimm.f32 $0.0e+00;
	s10 =	sadd.s32 $0x3600, s11;
	s11 =	smax.u32 s12, $0x1;
	s12 =	simm.s32 $0x80  }
.LBB2_12:
0xf: {  	s18 =	sadd.s32 $0x1, s18  }
0x10: {  	p1 =	sne.s32 s18, s11  }
.Ltmp1:
0x11: {  	_ = 	snop;
	(pc) =	sbr.rel @!p1 .LBB2_13-.Ltmp1, $4  }
0x12: {  	[hbm4b:s19+s6] =	stream.linear.scatter [tilespmem:s17], [sflag:$0x1], $0x1000, $0x38;
	[tilespmem:$0xA600] =	vst v63  }
0x13: {  	_ =	swait.ge [sflag:s14], $0x1000  }
0x14: {  	[sflag:s14] =	ssyncset.done $0x0  }
0x15: {  	[sflag:s14] =	ssyncadd.s32 $0xFFFFF000  }
.LBB2_1:
.Ltmp2:
0x16: {  	(pc) =	sbr.rel @!p0 .LBB2_2-.Ltmp2, $2  }
0x17: {  	_ =	sdelay $0x2  }
0x18: {  	s19 =	simm.s32 $0x0  }
0x19: {  	[tilespmem:s19], [sflag:$0x1] =	stream.strided.gather [hbm4b:s3+s12], $0x3200, s13, s12, $0x38;
	[tilespmem:$0xA600] =	vst v63  }
0x1a: {  	_ =	swait.ge [sflag:s14], $0x3200  }
0x1b: {  	[sflag:s14] =	ssyncset.done $0x0  }
0x1c: {  	[sflag:s14] =	ssyncadd.s32 $0xFFFFCE00  }
0x1d: {  	[tilespmem:s15], [sflag:$0x1] =	stream.strided.gather [hbm4b:s9+s12], $0x3200, s13, s12, $0x38;
	[tilespmem:$0xA600] =	vst v63  }
0x1e: {  	_ =	swait.ge [sflag:s14], $0x3200  }
0x1f: {  	[sflag:s14] =	ssyncset.done $0x0  }
0x20: {  	[sflag:s14] =	ssyncadd.s32 $0xFFFFCE00  }
0x21: {  	[tilespmem:s16], [sflag:$0x1] =	stream.linear.gather [hbm4b:s4+s19], $0x3200, $0x38;
	[tilespmem:$0xA600] =	vst v63  }
0x22: {  	_ =	swait.ge [sflag:s14], $0x3200  }
0x23: {  	s20 =	sand.u32 $0x800, s19;
	s21 =	sand.u32 $0x380, s19;
	[sflag:s14] =	ssyncset.done $0x0  }
0x24: {  	s20 =	sor.u32 s21, s20;
	[sflag:s14] =	ssyncadd.s32 $0xFFFFCE00  }
0x25: {  	[tilespmem:s20+$0x9A70] =	vst v1  }
0x26: {  	[tilespmem:s20+$0x9600] =	vst v1  }
0x27: {  	[tilespmem:s20+$0x9610] =	vst v1  }
0x28: {  	[tilespmem:s20+$0x9620] =	vst v1  }
0x29: {  	[tilespmem:s20+$0x9630] =	vst v1  }
0x2a: {  	[tilespmem:s20+$0x9640] =	vst v1  }
0x2b: {  	[tilespmem:s20+$0x9650] =	vst v1  }
0x2c: {  	[tilespmem:s20+$0x9660] =	vst v1  }
0x2d: {  	[tilespmem:s20+$0x9670] =	vst v1  }
0x2e: {  	[tilespmem:s20+$0x9A00] =	vst v1  }
0x2f: {  	[tilespmem:s20+$0x9A10] =	vst v1  }
0x30: {  	[tilespmem:s20+$0x9A20] =	vst v1  }
0x31: {  	[tilespmem:s20+$0x9A30] =	vst v1  }
0x32: {  	s22 =	simm.s32 $0x100;
	s21 =	simm.s32 $0x80;
	[tilespmem:s20+$0x9A40] =	vst v1  }
0x33: {  	s23 =	sand.u32 $0x800, s22;
	s22 =	simm.s32 $0x200;
	s24 =	sand.u32 $0x380, s21;
	[tilespmem:s20+$0x9A50] =	vst v1  }
.LBB2_8:
0x34: {  	p1 =	sne.s32 s22, $0xF00;
	[tilespmem:s20+$0x9A60] =	vst v1;
	s20 =	sor.u32 s24, s23  }
0x35: {  	[tilespmem:s20+$0x9A70] =	vst v1  }
0x36: {  	[tilespmem:s20+$0x9600] =	vst v1  }
0x37: {  	[tilespmem:s20+$0x9610] =	vst v1  }
0x38: {  	[tilespmem:s20+$0x9620] =	vst v1  }
0x39: {  	[tilespmem:s20+$0x9630] =	vst v1  }
0x3a: {  	[tilespmem:s20+$0x9640] =	vst v1  }
0x3b: {  	[tilespmem:s20+$0x9650] =	vst v1  }
0x3c: {  	[tilespmem:s20+$0x9660] =	vst v1  }
0x3d: {  	[tilespmem:s20+$0x9670] =	vst v1  }
0x3e: {  	[tilespmem:s20+$0x9A00] =	vst v1  }
.Ltmp3:
0x3f: {  	[tilespmem:s20+$0x9A10] =	vst v1;
	(pc) =	sbr.rel @p1 .LBB2_8-.Ltmp3, $4  }
0x40: {  	[tilespmem:s20+$0x9A20] =	vst v1  }
0x41: {  	[tilespmem:s20+$0x9A30] =	vst v1  }
0x42: {  	s21 =	sadd.s32 $0x80, s21;
	[tilespmem:s20+$0x9A40] =	vst v1  }
0x43: {  	s23 =	sand.u32 $0x800, s22;
	s22 =	sadd.s32 $0x100, s22;
	s24 =	sand.u32 $0x380, s21;
	[tilespmem:s20+$0x9A50] =	vst v1  }
0x44: {  	s21 =	sor.u32 s24, s23;
	[tilespmem:s20+$0x9A60] =	vst v1  }
0x45: {  	[tilespmem:s21+$0x9A70] =	vst v1  }
0x46: {  	[tilespmem:s21+$0x9600] =	vst v1  }
0x47: {  	[tilespmem:s21+$0x9610] =	vst v1  }
0x48: {  	[tilespmem:s21+$0x9620] =	vst v1  }
0x49: {  	[tilespmem:s21+$0x9630] =	vst v1  }
0x4a: {  	[tilespmem:s21+$0x9640] =	vst v1  }
0x4b: {  	[tilespmem:s21+$0x9650] =	vst v1  }
0x4c: {  	[tilespmem:s21+$0x9660] =	vst v1  }
0x4d: {  	[tilespmem:s21+$0x9670] =	vst v1  }
0x4e: {  	[tilespmem:s21+$0x9A00] =	vst v1  }
0x4f: {  	[tilespmem:s21+$0x9A10] =	vst v1  }
0x50: {  	[tilespmem:s21+$0x9A20] =	vst v1  }
0x51: {  	[tilespmem:s21+$0x9A30] =	vst v1  }
0x52: {  	[tilespmem:s21+$0x9A40] =	vst v1  }
0x53: {  	[tilespmem:s21+$0x9A50] =	vst v1  }
0x54: {  	[tilespmem:s21+$0x9A60] =	vst v1  }
.LBB2_10:
0x55: {  	s20 =	sshra.s32 s19, $0x2  }
0x56: {  	v2 =	vld [tilespmem:s20+$0x3200];
	_ =	sdelay $0x2  }
0x57: {  	v3 =	vld [tilespmem:s20+$0x0];
	_ =	sdelay $0x1  }
0x58: {  	v4 =	vsub.s32 v2, v0  }
0x59: {  	vm0 =	vlt.u32 v4, $0x10  }
0x5a: {  	v4 =	vnsel vm0, $0x0, v4  }
0x5b: {  	v6 =	vshll.u32 v3, $0x3;
	v5 =	vshll.u32 v4, $0x8  }
0x5c: {  	v6 =	vand.u32 $0xFFFFFC00, v6;
	v4 =	vshll.u32 v4, $0x7;
	v5 =	vand.u32 $0xFFFFF800, v5  }
0x5d: {  	v4 =	vand.u32 $0x380, v4;
	v5 =	vadd.s32 v6, v5  }
0x5e: {  	v47 =	vld [tilespmem:s20+$0x6400];
	v48 =	vand.u32 $0x7F, v3;
	v4 =	vor.u32 v4, v5  }
0x5f: {  	v4 =	vor.u32 v48, v4;
	_ =	sdelay $0x2  }
0x60: {  	vm1 =	veq.s32 v3, v2  }
0x61: {  	v2 =	vsel vm1, $0x0, v47  }
0x62: {  	[tilespmem:v4+s17+$0x0] =	vst.idx.add.f32.msk vm0, v2  }
0x63: {  	v2 =	vld [tilespmem:s20+$0x3210];
	_ =	sdelay $0x2  }
0x64: {  	v3 =	vld [tilespmem:s20+$0x10];
	_ =	sdelay $0x1  }
0x65: {  	v49 =	vsub.s32 v2, v0  }
0x66: {  	vm10 =	vlt.u32 v49, $0x10  }
0x67: {  	v4 =	vnsel vm10, $0x0, v49  }
0x68: {  	v51 =	vshll.u32 v3, $0x3;
	v50 =	vshll.u32 v4, $0x8  }
0x69: {  	v6 =	vand.u32 $0xFFFFFC00, v51;
	v4 =	vshll.u32 v4, $0x7;
	v5 =	vand.u32 $0xFFFFF800, v50  }
0x6a: {  	v4 =	vand.u32 $0x380, v4;
	v5 =	vadd.s32 v6, v5  }
0x6b: {  	v52 =	vld [tilespmem:s20+$0x6410];
	v53 =	vand.u32 $0x7F, v3;
	v4 =	vor.u32 v4, v5  }
0x6c: {  	v4 =	vor.u32 v53, v4;
	_ =	sdelay $0x2  }
0x6d: {  	vm11 =	veq.s32 v3, v2  }
0x6e: {  	v2 =	vsel vm11, $0x0, v52  }
0x6f: {  	[tilespmem:v4+s17+$0x0] =	vst.idx.add.f32.msk vm10, v2  }
0x70: {  	v2 =	vld [tilespmem:s20+$0x3220];
	_ =	sdelay $0x2  }
0x71: {  	v3 =	vld [tilespmem:s20+$0x20];
	_ =	sdelay $0x1  }
0x72: {  	v54 =	vsub.s32 v2, v0  }
0x73: {  	vm12 =	vlt.u32 v54, $0x10  }
0x74: {  	v4 =	vnsel vm12, $0x0, v54  }
0x75: {  	v56 =	vshll.u32 v3, $0x3;
	v55 =	vshll.u32 v4, $0x8  }
0x76: {  	v6 =	vand.u32 $0xFFFFFC00, v56;
	v4 =	vshll.u32 v4, $0x7;
	v5 =	vand.u32 $0xFFFFF800, v55  }
0x77: {  	v4 =	vand.u32 $0x380, v4;
	v5 =	vadd.s32 v6, v5  }
0x78: {  	v57 =	vld [tilespmem:s20+$0x6420];
	v58 =	vand.u32 $0x7F, v3;
	v4 =	vor.u32 v4, v5  }
0x79: {  	v4 =	vor.u32 v58, v4;
	_ =	sdelay $0x2  }
0x7a: {  	vm13 =	veq.s32 v3, v2  }
0x7b: {  	v2 =	vsel vm13, $0x0, v57  }
0x7c: {  	[tilespmem:v4+s17+$0x0] =	vst.idx.add.f32.msk vm12, v2  }
0x7d: {  	v2 =	vld [tilespmem:s20+$0x3230];
	_ =	sdelay $0x2  }
0x7e: {  	v3 =	vld [tilespmem:s20+$0x30];
	_ =	sdelay $0x1  }
0x7f: {  	v59 =	vsub.s32 v2, v0  }
0x80: {  	vm14 =	vlt.u32 v59, $0x10  }
0x81: {  	v4 =	vnsel vm14, $0x0, v59  }
0x82: {  	v61 =	vshll.u32 v3, $0x3;
	v60 =	vshll.u32 v4, $0x8  }
0x83: {  	v6 =	vand.u32 $0xFFFFFC00, v61;
	v4 =	vshll.u32 v4, $0x7;
	v5 =	vand.u32 $0xFFFFF800, v60  }
0x84: {  	v4 =	vand.u32 $0x380, v4;
	v5 =	vadd.s32 v6, v5  }
0x85: {  	v62 =	vld [tilespmem:s20+$0x6430];
	v63 =	vand.u32 $0x7F, v3;
	v4 =	vor.u32 v4, v5  }
0x86: {  	p1 =	sne.s32 s19, $0xC700;
	v4 =	vor.u32 v63, v4  }
.Ltmp4:
0x87: {  	_ = 	snop;
	(pc) =	sbr.rel @p1 .LBB2_10-.Ltmp4, $4  }
0x88: {  	_ = 	snop  }
0x89: {  	vm15 =	veq.s32 v3, v2  }
0x8a: {  	v2 =	vsel vm15, $0x0, v62  }
0x8b: {  	s19 =	sadd.s32 $0x100, s19;
	[tilespmem:v4+s17+$0x0] =	vst.idx.add.f32.msk vm14, v2  }
.Ltmp5:
0x8c: {  	(pc) =	sbr.rel .LBB2_12-.Ltmp5, $2  }
0x8d: {  	_ =	sdelay $0x2  }
0x8e: {  	s19 =	smov.u32 s10  }
.LBB2_2:
0x8f: {  	[tilespmem:s19], [sflag:$0x1] =	stream.strided.gather [hbm4b:s1+s12], $0x3200, s13, s12, $0x38;
	[tilespmem:$0xA600] =	vst v63  }
0x90: {  	_ =	swait.ge [sflag:s14], $0x3200  }
0x91: {  	[sflag:s14] =	ssyncset.done $0x0  }
0x92: {  	[sflag:s14] =	ssyncadd.s32 $0xFFFFCE00  }
0x93: {  	[tilespmem:s15], [sflag:$0x1] =	stream.strided.gather [hbm4b:s7+s12], $0x3200, s13, s12, $0x38;
	[tilespmem:$0xA600] =	vst v63  }
0x94: {  	_ =	swait.ge [sflag:s14], $0x3200  }
0x95: {  	[sflag:s14] =	ssyncset.done $0x0  }
0x96: {  	[sflag:s14] =	ssyncadd.s32 $0xFFFFCE00  }
0x97: {  	[tilespmem:s16], [sflag:$0x1] =	stream.linear.gather [hbm4b:s2+s19], $0x3200, $0x38;
	[tilespmem:$0xA600] =	vst v63  }
0x98: {  	_ =	swait.ge [sflag:s14], $0x3200  }
0x99: {  	s20 =	sand.u32 $0x800, s19;
	s21 =	sand.u32 $0x380, s19;
	[sflag:s14] =	ssyncset.done $0x0  }
0x9a: {  	s20 =	sor.u32 s21, s20;
	[sflag:s14] =	ssyncadd.s32 $0xFFFFCE00  }
0x9b: {  	[tilespmem:s20+$0x9A70] =	vst v1  }
0x9c: {  	[tilespmem:s20+$0x9600] =	vst v1  }
0x9d: {  	[tilespmem:s20+$0x9610] =	vst v1  }
0x9e: {  	[tilespmem:s20+$0x9620] =	vst v1  }
0x9f: {  	[tilespmem:s20+$0x9630] =	vst v1  }
0xa0: {  	[tilespmem:s20+$0x9640] =	vst v1  }
0xa1: {  	[tilespmem:s20+$0x9650] =	vst v1  }
0xa2: {  	[tilespmem:s20+$0x9660] =	vst v1  }
0xa3: {  	[tilespmem:s20+$0x9670] =	vst v1  }
0xa4: {  	[tilespmem:s20+$0x9A00] =	vst v1  }
0xa5: {  	[tilespmem:s20+$0x9A10] =	vst v1  }
0xa6: {  	[tilespmem:s20+$0x9A20] =	vst v1  }
0xa7: {  	[tilespmem:s20+$0x9A30] =	vst v1  }
0xa8: {  	s22 =	simm.s32 $0x100;
	s21 =	simm.s32 $0x80;
	[tilespmem:s20+$0x9A40] =	vst v1  }
0xa9: {  	s23 =	sand.u32 $0x800, s22;
	s22 =	simm.s32 $0x200;
	s24 =	sand.u32 $0x380, s21;
	[tilespmem:s20+$0x9A50] =	vst v1  }
.LBB2_3:
0xaa: {  	p1 =	sne.s32 s22, $0xF00;
	[tilespmem:s20+$0x9A60] =	vst v1;
	s20 =	sor.u32 s24, s23  }
0xab: {  	[tilespmem:s20+$0x9A70] =	vst v1  }
0xac: {  	[tilespmem:s20+$0x9600] =	vst v1  }
0xad: {  	[tilespmem:s20+$0x9610] =	vst v1  }
0xae: {  	[tilespmem:s20+$0x9620] =	vst v1  }
0xaf: {  	[tilespmem:s20+$0x9630] =	vst v1  }
0xb0: {  	[tilespmem:s20+$0x9640] =	vst v1  }
0xb1: {  	[tilespmem:s20+$0x9650] =	vst v1  }
0xb2: {  	[tilespmem:s20+$0x9660] =	vst v1  }
0xb3: {  	[tilespmem:s20+$0x9670] =	vst v1  }
0xb4: {  	[tilespmem:s20+$0x9A00] =	vst v1  }
.Ltmp6:
0xb5: {  	[tilespmem:s20+$0x9A10] =	vst v1;
	(pc) =	sbr.rel @p1 .LBB2_3-.Ltmp6, $4  }
0xb6: {  	[tilespmem:s20+$0x9A20] =	vst v1  }
0xb7: {  	[tilespmem:s20+$0x9A30] =	vst v1  }
0xb8: {  	s21 =	sadd.s32 $0x80, s21;
	[tilespmem:s20+$0x9A40] =	vst v1  }
0xb9: {  	s23 =	sand.u32 $0x800, s22;
	s22 =	sadd.s32 $0x100, s22;
	s24 =	sand.u32 $0x380, s21;
	[tilespmem:s20+$0x9A50] =	vst v1  }
0xba: {  	s21 =	sor.u32 s24, s23;
	[tilespmem:s20+$0x9A60] =	vst v1  }
0xbb: {  	[tilespmem:s21+$0x9A70] =	vst v1  }
0xbc: {  	[tilespmem:s21+$0x9600] =	vst v1  }
0xbd: {  	[tilespmem:s21+$0x9610] =	vst v1  }
0xbe: {  	[tilespmem:s21+$0x9620] =	vst v1  }
0xbf: {  	[tilespmem:s21+$0x9630] =	vst v1  }
0xc0: {  	[tilespmem:s21+$0x9640] =	vst v1  }
0xc1: {  	[tilespmem:s21+$0x9650] =	vst v1  }
0xc2: {  	[tilespmem:s21+$0x9660] =	vst v1  }
0xc3: {  	[tilespmem:s21+$0x9670] =	vst v1  }
0xc4: {  	[tilespmem:s21+$0x9A00] =	vst v1  }
0xc5: {  	[tilespmem:s21+$0x9A10] =	vst v1  }
0xc6: {  	[tilespmem:s21+$0x9A20] =	vst v1  }
0xc7: {  	[tilespmem:s21+$0x9A30] =	vst v1  }
0xc8: {  	[tilespmem:s21+$0x9A40] =	vst v1  }
0xc9: {  	[tilespmem:s21+$0x9A50] =	vst v1  }
0xca: {  	[tilespmem:s21+$0x9A60] =	vst v1  }
.LBB2_5:
0xcb: {  	s20 =	sshra.s32 s19, $0x2  }
0xcc: {  	v2 =	vld [tilespmem:s20+$0x3200];
	_ =	sdelay $0x2  }
0xcd: {  	v3 =	vld [tilespmem:s20+$0x0];
	_ =	sdelay $0x1  }
0xce: {  	v4 =	vsub.s32 v2, v0  }
0xcf: {  	vm0 =	vlt.u32 v4, $0x10  }
0xd0: {  	v4 =	vnsel vm0, $0x0, v4  }
0xd1: {  	v6 =	vshll.u32 v3, $0x3;
	v5 =	vshll.u32 v4, $0x8  }
0xd2: {  	v6 =	vand.u32 $0xFFFFFC00, v6;
	v4 =	vshll.u32 v4, $0x7;
	v5 =	vand.u32 $0xFFFFF800, v5  }
0xd3: {  	v4 =	vand.u32 $0x380, v4;
	v5 =	vadd.s32 v6, v5  }
0xd4: {  	v47 =	vld [tilespmem:s20+$0x6400];
	v48 =	vand.u32 $0x7F, v3;
	v4 =	vor.u32 v4, v5  }
0xd5: {  	v4 =	vor.u32 v48, v4;
	_ =	sdelay $0x2  }
0xd6: {  	vm1 =	veq.s32 v3, v2  }
0xd7: {  	v2 =	vsel vm1, $0x0, v47  }
0xd8: {  	[tilespmem:v4+s17+$0x0] =	vst.idx.add.f32.msk vm0, v2  }
0xd9: {  	v2 =	vld [tilespmem:s20+$0x3210];
	_ =	sdelay $0x2  }
0xda: {  	v3 =	vld [tilespmem:s20+$0x10];
	_ =	sdelay $0x1  }
0xdb: {  	v49 =	vsub.s32 v2, v0  }
0xdc: {  	vm10 =	vlt.u32 v49, $0x10  }
0xdd: {  	v4 =	vnsel vm10, $0x0, v49  }
0xde: {  	v51 =	vshll.u32 v3, $0x3;
	v50 =	vshll.u32 v4, $0x8  }
0xdf: {  	v6 =	vand.u32 $0xFFFFFC00, v51;
	v4 =	vshll.u32 v4, $0x7;
	v5 =	vand.u32 $0xFFFFF800, v50  }
0xe0: {  	v4 =	vand.u32 $0x380, v4;
	v5 =	vadd.s32 v6, v5  }
0xe1: {  	v52 =	vld [tilespmem:s20+$0x6410];
	v53 =	vand.u32 $0x7F, v3;
	v4 =	vor.u32 v4, v5  }
0xe2: {  	v4 =	vor.u32 v53, v4;
	_ =	sdelay $0x2  }
0xe3: {  	vm11 =	veq.s32 v3, v2  }
0xe4: {  	v2 =	vsel vm11, $0x0, v52  }
0xe5: {  	[tilespmem:v4+s17+$0x0] =	vst.idx.add.f32.msk vm10, v2  }
0xe6: {  	v2 =	vld [tilespmem:s20+$0x3220];
	_ =	sdelay $0x2  }
0xe7: {  	v3 =	vld [tilespmem:s20+$0x20];
	_ =	sdelay $0x1  }
0xe8: {  	v54 =	vsub.s32 v2, v0  }
0xe9: {  	vm12 =	vlt.u32 v54, $0x10  }
0xea: {  	v4 =	vnsel vm12, $0x0, v54  }
0xeb: {  	v56 =	vshll.u32 v3, $0x3;
	v55 =	vshll.u32 v4, $0x8  }
0xec: {  	v6 =	vand.u32 $0xFFFFFC00, v56;
	v4 =	vshll.u32 v4, $0x7;
	v5 =	vand.u32 $0xFFFFF800, v55  }
0xed: {  	v4 =	vand.u32 $0x380, v4;
	v5 =	vadd.s32 v6, v5  }
0xee: {  	v57 =	vld [tilespmem:s20+$0x6420];
	v58 =	vand.u32 $0x7F, v3;
	v4 =	vor.u32 v4, v5  }
0xef: {  	v4 =	vor.u32 v58, v4;
	_ =	sdelay $0x2  }
0xf0: {  	vm13 =	veq.s32 v3, v2  }
0xf1: {  	v2 =	vsel vm13, $0x0, v57  }
0xf2: {  	[tilespmem:v4+s17+$0x0] =	vst.idx.add.f32.msk vm12, v2  }
0xf3: {  	v2 =	vld [tilespmem:s20+$0x3230];
	_ =	sdelay $0x2  }
0xf4: {  	v3 =	vld [tilespmem:s20+$0x30];
	_ =	sdelay $0x1  }
0xf5: {  	v59 =	vsub.s32 v2, v0  }
0xf6: {  	vm14 =	vlt.u32 v59, $0x10  }
0xf7: {  	v4 =	vnsel vm14, $0x0, v59  }
0xf8: {  	v61 =	vshll.u32 v3, $0x3;
	v60 =	vshll.u32 v4, $0x8  }
0xf9: {  	v6 =	vand.u32 $0xFFFFFC00, v61;
	v4 =	vshll.u32 v4, $0x7;
	v5 =	vand.u32 $0xFFFFF800, v60  }
0xfa: {  	v4 =	vand.u32 $0x380, v4;
	v5 =	vadd.s32 v6, v5  }
0xfb: {  	v62 =	vld [tilespmem:s20+$0x6430];
	v63 =	vand.u32 $0x7F, v3;
	v4 =	vor.u32 v4, v5  }
0xfc: {  	p1 =	seq.s32 s19, $0xC700;
	v4 =	vor.u32 v63, v4  }
.Ltmp7:
0xfd: {  	_ = 	snop;
	(pc) =	sbr.rel @!p1 .LBB2_5-.Ltmp7, $4  }
0xfe: {  	_ = 	snop  }
0xff: {  	vm15 =	veq.s32 v3, v2  }
0x100: {  	v2 =	vsel vm15, $0x0, v62  }
0x101: {  	s19 =	sadd.s32 $0x100, s19;
	[tilespmem:v4+s17+$0x0] =	vst.idx.add.f32.msk vm14, v2  }
.Ltmp8:
0x102: {  	(pc) =	sbr.rel .LBB2_12-.Ltmp8, $2  }
0x103: {  	_ =	sdelay $0x2  }
0x104: {  	s19 =	smov.u32 s8  }
.LBB2_13:
0x105: {  	_ =	sfence.sel $0x180000  }
0x106: {  	[bflag:$0x0] =	sbarrier.arrive $0xFFFF  }
0x107: {  	p0 =	sne.s32 s5, $0x0;
	_ =	strace $0x90000047  }
0x108: {  	s0 =	sadd.s32 @!p0 $0x100000, s0;
	[bflag:$0x2] =	sbarrier.arrive $0xFFFF  }
0x109: {  	[sflag:s0] =	ssyncadd.tile.s32 @!p0 $0x1;
	_ =	shalt  }
.Lfunc_end2:
_tile_overlayer_lowered:
.L_overlay_start_2:
0x10a: {  	(tag) =	ssettag $0x2  }
0x10b: {  	s0 =	rddreg [dreg:$0x0];
	s2 =	stileid.u32  }
0x10c: {  	s1 =	rddreg [dreg:$0x1];
	p0 =	sne.s32 s2, $0x0  }
0x10d: {  	s3 =	rddreg [dreg:$0x2];
	[bflag:$0x3] =	sbarrier.arrive $0xFFFF;
	s2 =	simm.s32 @!p0 $0x1C01  }
0x10e: {  	[timem:s3], [sflag:s2] =	dma.local @!p0 [hbm:s0], s1  }
0x10f: {  	s0 =	simm.s32 @!p0 $0x1  }
0x110: {  	_ =	swait.ge @!p0 [sflag:s0], s1  }
0x111: {  	s1 =	ssub.s32 @!p0 $0x0, s1;
	[sflag:s0] =	ssyncset.done @!p0 $0x0  }
0x112: {  	[sflag:s0] =	ssyncadd.s32 @!p0 s1  }
0x113: {  	[bflag:$0x3] =	sbarrier.arrive $0xFFFF  }
0x114: {  	_ =	shalt  }

</sc_bundles>
